<compile_context>
chip_gen: v7x
topology: tpu7x:2x2x1
jax: 0.10.2.dev20260603
libtpu: 0.0.44.dev20260713+nightly
codegen_flags: <defaults>
</compile_context>

<pallas_src>
import functools

import jax
import jax.numpy as jnp
from jax import lax
from jax.experimental import pallas as pl
from jax.experimental.pallas import tpu as pltpu
from jax.experimental.pallas import tpu_sc as plsc

_NPIX = 500
_SIDE = 512
_PLANE = _SIDE * _SIDE
_L = 16
_NW = 16
_PER_W = 32
_PADN = _NW * _PER_W
_MARGIN = 5.0
_EPS = 1e-7


def _vsqrt(x):
    xb = lax.bitcast_convert_type(x, jnp.int32)
    seed = jnp.int32(0x5F3759DF) - (xb >> 1)
    y = lax.bitcast_convert_type(seed, jnp.float32)
    for _ in range(3):
        y = y * (1.5 - 0.5 * x * y * y)
    return x * y


def _sc_triplet(img1f, img2f, coords):
    mesh = plsc.VectorSubcoreMesh(
        core_axis_name="c", subcore_axis_name="s", num_cores=1)

    @functools.partial(
        pl.kernel,
        mesh=mesh,
        compiler_params=pltpu.CompilerParams(
            needs_layout_passes=False,
            disable_bounds_checks=True,
            disable_semaphore_checks=True,
        ),
        out_type=jax.ShapeDtypeStruct((1,), jnp.float32),
        scratch_types=[
            pltpu.VMEM((6 * _PADN,), jnp.int32),
            pltpu.VMEM((96,), jnp.int32),
            pltpu.VMEM((96,), jnp.int32),
            pltpu.VMEM((96,), jnp.int32),
            pltpu.VMEM((96,), jnp.float32),
            pltpu.VMEM((96,), jnp.float32),
            pltpu.VMEM((96,), jnp.float32),
            pltpu.VMEM((_L,), jnp.float32),
            pltpu.VMEM((_NW * _L,), jnp.float32),
            pltpu.VMEM_SHARED((_NW * _L,), jnp.float32),
            pltpu.VMEM((_L,), jnp.float32),
            pltpu.SemaphoreType.DMA,
            pltpu.SemaphoreType.DMA,
            pltpu.SemaphoreType.DMA,
        ],
    )
    def run(img1_hbm, img2_hbm, co_hbm, out_hbm,
            co_v, idx_a, idx_b, idx_c, f_a, f_b, f_c,
            part_v, acc_v, shared, out_v, sem_a, sem_b, sem_c):
        sid = lax.axis_index("s")
        lane = lax.iota(jnp.int32, _L)

        cc1 = pltpu.async_copy(
            co_hbm.at[pl.ds(0, 2 * _PADN)], co_v.at[pl.ds(0, 2 * _PADN)],
            sem_a)
        cc2 = pltpu.async_copy(
            co_hbm.at[pl.ds(2 * _PADN, 2 * _PADN)],
            co_v.at[pl.ds(2 * _PADN, 2 * _PADN)], sem_b)
        ccn = pltpu.async_copy(
            co_hbm.at[pl.ds(4 * _PADN, 2 * _PADN)],
            co_v.at[pl.ds(4 * _PADN, 2 * _PADN)], sem_c)

        masks = []
        offs = []
        for j in range(2):
            off = sid * _PER_W + j * _L
            offs.append(off)
            masks.append(off + lane < _NPIX)

        cc1.wait()
        for j in range(2):
            b1 = co_v[pl.ds(offs[j], _L)] * _SIDE + \
                co_v[pl.ds(_PADN + offs[j], _L)]
            for c in range(3):
                idx_a[pl.ds(c * _PER_W + j * _L, _L)] = b1 + c * _PLANE
        cp_a = pltpu.async_copy(img1_hbm.at[idx_a], f_a, sem_a)

        cc2.wait()
        for j in range(2):
            b2 = co_v[pl.ds(2 * _PADN + offs[j], _L)] * _SIDE + \
                co_v[pl.ds(3 * _PADN + offs[j], _L)]
            for c in range(3):
                idx_b[pl.ds(c * _PER_W + j * _L, _L)] = b2 + c * _PLANE
        cp_b = pltpu.async_copy(img2_hbm.at[idx_b], f_b, sem_b)

        ccn.wait()
        for j in range(2):
            bn = co_v[pl.ds(4 * _PADN + offs[j], _L)] * _SIDE + \
                co_v[pl.ds(5 * _PADN + offs[j], _L)]
            for c in range(3):
                idx_c[pl.ds(c * _PER_W + j * _L, _L)] = bn + c * _PLANE
        cp_c = pltpu.async_copy(img2_hbm.at[idx_c], f_c, sem_c)

        cp_a.wait()
        cp_b.wait()
        cp_c.wait()

        zero = jnp.zeros((_L,), jnp.float32)
        accs = [zero] * 12
        for j in range(2):
            m = masks[j]
            f1 = [jnp.where(m, f_a[pl.ds(c * _PER_W + j * _L, _L)], 0.0)
                  for c in range(3)]
            f2 = [jnp.where(m, f_b[pl.ds(c * _PER_W + j * _L, _L)], 0.0)
                  for c in range(3)]
            fn = [jnp.where(m, f_c[pl.ds(c * _PER_W + j * _L, _L)], 0.0)
                  for c in range(3)]
            k = 0
            for c in range(3):
                d = f1[c] - f2[c]
                accs[k] = accs[k] + d * d
                k += 1
            for a in range(3):
                for b in range(3):
                    d = f1[b] - fn[a]
                    accs[k] = accs[k] + d * d
                    k += 1

        pv = zero
        for k in range(12):
            pv = jnp.where(lane == k, jnp.sum(accs[k]), pv)
        part_v[...] = pv
        pltpu.sync_copy(part_v, shared.at[pl.ds(sid * _L, _L)])
        plsc.subcore_barrier()

        @pl.when(sid == 0)
        def _final():
            pltpu.sync_copy(shared, acc_v)
            tot = zero
            for w in range(_NW):
                tot = tot + acc_v[pl.ds(w * _L, _L)]
            d = _vsqrt(tot + _EPS)
            pos = jnp.sum(jnp.where(lane < 3, d, 0.0)) * (1.0 / 3.0)
            hinge = jnp.maximum(_MARGIN + pos - d, 0.0)
            neg_m = (lane >= 3) & (lane < 12)
            loss = jnp.sum(jnp.where(neg_m, hinge, 0.0)) * (1.0 / 9.0)
            out_v[...] = jnp.where(lane == 0, loss, 0.0)
            pltpu.sync_copy(out_v.at[pl.ds(0, 1)], out_hbm)

    return run(img1f, img2f, coords)


def kernel(img1, img1_out, img2, img2_out, coords1, coords2, non_matches):
    pad = (0, _PADN - _NPIX)
    coords = jnp.concatenate([
        jnp.pad(coords1[:, 0], pad), jnp.pad(coords1[:, 1], pad),
        jnp.pad(coords2[:, 0], pad), jnp.pad(coords2[:, 1], pad),
        jnp.pad(non_matches[0, 0], pad), jnp.pad(non_matches[0, 1], pad),
    ])
    out = _sc_triplet(img1_out.reshape(-1), img2_out.reshape(-1), coords)
    return out.reshape(())

# --- scband reference (transcript-rebuilt; emitter-appended) ---
"""Pipeline reference for scband-pixel-triplet-loss-58574763983722 (READ-ONLY COPY).

The authoritative reference and input builder live on the scoring server;
editing this copy changes nothing except your own understanding.
"""

import jax, jax.numpy as jnp
import numpy as np


def setup_inputs(seed: int = 0) -> dict:
    key = jax.random.key(seed)
    k1, k2, k3, k4, k5, k6, k7 = jax.random.split(key, 7)
    img1 = jax.random.uniform(k1, (512, 512, 3), dtype=jnp.float32)
    img2 = jax.random.uniform(k2, (512, 512, 3), dtype=jnp.float32)
    img1_out = jax.random.normal(k3, (1, 3, 512, 512), dtype=jnp.float32)
    img2_out = jax.random.normal(k4, (1, 3, 512, 512), dtype=jnp.float32)
    # edge_detection (cv2.Canny + random.sample) replaced by deterministic
    # random pixel coordinates in-range [0, 512), same shapes as the torch path.
    coords1 = jax.random.randint(k5, (500, 2), 0, 512, dtype=jnp.int32)
    coords2 = jax.random.randint(k6, (500, 2), 0, 512, dtype=jnp.int32)
    nk1, nk2 = jax.random.split(k7)
    non_matches_x = jax.random.randint(nk1, (1, 500), 0, 512, dtype=jnp.int32)
    non_matches_y = jax.random.randint(nk2, (1, 500), 0, 512, dtype=jnp.int32)
    non_matches = jnp.stack([non_matches_x, non_matches_y], axis=1)  # [1, 2, 500]
    return {"img1": img1, "img1_out": img1_out, "img2": img2, "img2_out": img2_out,
            "coords1": coords1, "coords2": coords2, "non_matches": non_matches}


def _features_in_out(img, features):
    xs = features[:, 0]
    ys = features[:, 1]
    return img[:, :, xs, ys]


def _distance(x, y):
    diff = jnp.abs(x - y)
    diff = jnp.power(diff, 2).sum(-1)
    epsilon = 1e-07
    return jnp.sqrt(diff + epsilon)


def reference(img1, img1_out, img2, img2_out, coords1, coords2, non_matches):
    margin = 5.0  # margins[0], margin_step starts at 0
    features_in_out1 = _features_in_out(img1_out, coords1)   # [1, 3, 500]
    features_in_out2 = _features_in_out(img2_out, coords2)   # [1, 3, 500]
    pos_distance = _distance(features_in_out1, features_in_out2).mean()
    features_in_out_neg = _features_in_out(img2_out, non_matches)  # [1, 3, 1, 500]
    neg_distance = _distance(features_in_out1, features_in_out_neg)
    loss = jnp.maximum(margin + pos_distance - neg_distance, 0.0).mean()
    return loss

if __name__ == "__main__":
    import jax
    _d = setup_inputs()
    print(jax.jit(kernel)(*tuple(_d.values())))

</pallas_src>

<mosaic_0001>
#map = affine_map<(d0, d1) -> (0)>
module attributes {stable_mosaic.version = 14 : i64} {
  func.func @run(%arg0: i32, %arg1: i32, %arg2: memref<786432xf32, #tpu.memory_space<hbm>>, %arg3: memref<786432xf32, #tpu.memory_space<hbm>>, %arg4: memref<3072xi32, #tpu.memory_space<hbm>>, %arg5: memref<1xf32, #tpu.memory_space<hbm>>, %arg6: memref<3072xi32, #tpu.memory_space<vmem>>, %arg7: memref<96xi32, #tpu.memory_space<vmem>>, %arg8: memref<96xi32, #tpu.memory_space<vmem>>, %arg9: memref<96xi32, #tpu.memory_space<vmem>>, %arg10: memref<96xf32, #tpu.memory_space<vmem>>, %arg11: memref<96xf32, #tpu.memory_space<vmem>>, %arg12: memref<96xf32, #tpu.memory_space<vmem>>, %arg13: memref<16xf32, #tpu.memory_space<vmem>>, %arg14: memref<256xf32, #tpu.memory_space<vmem>>, %arg15: memref<256xf32, #tpu.memory_space<vmem_shared>>, %arg16: memref<16xf32, #tpu.memory_space<vmem>>, %arg17: memref<!tpu.dma_semaphore, #tpu.memory_space<semaphore_mem>>, %arg18: memref<!tpu.dma_semaphore, #tpu.memory_space<semaphore_mem>>, %arg19: memref<!tpu.dma_semaphore, #tpu.memory_space<semaphore_mem>>) attributes {dimension_semantics = [#tpu.dimension_semantics<core_parallel>, #tpu.dimension_semantics<subcore_parallel>], iteration_bounds = array<i64: 1, 16>, scalar_prefetch = 0 : i64, scratch_operands = 14 : i64, tpu.core_type = #tpu.core_type<sc_vector_subcore>, window_params = [{transform_indices = #map}, {transform_indices = #map}, {transform_indices = #map}, {transform_indices = #map}]} {
    %iota3A = tpu.iota {dimensions = array<i32: 0>} : vector<16xi32>
    %dma_start3A = arith.constant 0 : i32
    %dma_start3A_0 = tpu.memref_slice %arg6[%dma_start3A] : memref<3072xi32, #tpu.memory_space<vmem>> -> memref<1024xi32, #tpu.memory_space<vmem>>
    %dma_start3A_1 = arith.constant 0 : i32
    %dma_start3A_2 = tpu.memref_slice %arg4[%dma_start3A_1] : memref<3072xi32, #tpu.memory_space<hbm>> -> memref<1024xi32, #tpu.memory_space<hbm>>
    %dma_start3A_3 = arith.constant 0 : i32
    %dma_start3A_4 = tpu.memref_slice %arg6[%dma_start3A_3] : memref<3072xi32, #tpu.memory_space<vmem>> -> memref<1024xi32, #tpu.memory_space<vmem>>
    %dma_start3A_5 = arith.constant 0 : i32
    %dma_start3A_6 = tpu.memref_slice %arg4[%dma_start3A_5] : memref<3072xi32, #tpu.memory_space<hbm>> -> memref<1024xi32, #tpu.memory_space<hbm>>
    tpu.enqueue_dma source(%dma_start3A_6 : memref<1024xi32, #tpu.memory_space<hbm>>) target(%dma_start3A_4 : memref<1024xi32, #tpu.memory_space<vmem>>) target_semaphore(%arg17 : memref<!tpu.dma_semaphore, #tpu.memory_space<semaphore_mem>>)
    %dma_start3A_7 = arith.constant 1024 : i32
    %dma_start3A_8 = tpu.memref_slice %arg6[%dma_start3A_7] : memref<3072xi32, #tpu.memory_space<vmem>> -> memref<1024xi32, #tpu.memory_space<vmem>>
    %dma_start3A_9 = arith.constant 1024 : i32
    %dma_start3A_10 = tpu.memref_slice %arg4[%dma_start3A_9] : memref<3072xi32, #tpu.memory_space<hbm>> -> memref<1024xi32, #tpu.memory_space<hbm>>
    %dma_start3A_11 = arith.constant 1024 : i32
    %dma_start3A_12 = tpu.memref_slice %arg6[%dma_start3A_11] : memref<3072xi32, #tpu.memory_space<vmem>> -> memref<1024xi32, #tpu.memory_space<vmem>>
    %dma_start3A_13 = arith.constant 1024 : i32
    %dma_start3A_14 = tpu.memref_slice %arg4[%dma_start3A_13] : memref<3072xi32, #tpu.memory_space<hbm>> -> memref<1024xi32, #tpu.memory_space<hbm>>
    tpu.enqueue_dma source(%dma_start3A_14 : memref<1024xi32, #tpu.memory_space<hbm>>) target(%dma_start3A_12 : memref<1024xi32, #tpu.memory_space<vmem>>) target_semaphore(%arg18 : memref<!tpu.dma_semaphore, #tpu.memory_space<semaphore_mem>>)
    %dma_start3A_15 = arith.constant 2048 : i32
    %dma_start3A_16 = tpu.memref_slice %arg6[%dma_start3A_15] : memref<3072xi32, #tpu.memory_space<vmem>> -> memref<1024xi32, #tpu.memory_space<vmem>>
    %dma_start3A_17 = arith.constant 2048 : i32
    %dma_start3A_18 = tpu.memref_slice %arg4[%dma_start3A_17] : memref<3072xi32, #tpu.memory_space<hbm>> -> memref<1024xi32, #tpu.memory_space<hbm>>
    %dma_start3A_19 = arith.constant 2048 : i32
    %dma_start3A_20 = tpu.memref_slice %arg6[%dma_start3A_19] : memref<3072xi32, #tpu.memory_space<vmem>> -> memref<1024xi32, #tpu.memory_space<vmem>>
    %dma_start3A_21 = arith.constant 2048 : i32
    %dma_start3A_22 = tpu.memref_slice %arg4[%dma_start3A_21] : memref<3072xi32, #tpu.memory_space<hbm>> -> memref<1024xi32, #tpu.memory_space<hbm>>
    tpu.enqueue_dma source(%dma_start3A_22 : memref<1024xi32, #tpu.memory_space<hbm>>) target(%dma_start3A_20 : memref<1024xi32, #tpu.memory_space<vmem>>) target_semaphore(%arg19 : memref<!tpu.dma_semaphore, #tpu.memory_space<semaphore_mem>>)
    %mul3A = arith.constant 32 : i32
    %mul3A_23 = arith.muli %arg1, %mul3A : i32
    %add3A = arith.constant 0 : i32
    %add3A_24 = arith.addi %mul3A_23, %add3A : i32
    %add3A_25 = vector.broadcast %add3A_24 : i32 to vector<16xi32>
    %add3A_26 = arith.addi %add3A_25, %iota3A : vector<16xi32>
    %lt3A = arith.constant 500 : i32
    %lt3A_27 = vector.broadcast %lt3A : i32 to vector<16xi32>
    %lt3A_28 = arith.cmpi slt, %add3A_26, %lt3A_27 : vector<16xi32>
    %mul3A_29 = arith.constant 32 : i32
    %mul3A_30 = arith.muli %arg1, %mul3A_29 : i32
    %add3A_31 = arith.constant 16 : i32
    %add3A_32 = arith.addi %mul3A_30, %add3A_31 : i32
    %add3A_33 = vector.broadcast %add3A_32 : i32 to vector<16xi32>
    %add3A_34 = arith.addi %add3A_33, %iota3A : vector<16xi32>
    %lt3A_35 = arith.constant 500 : i32
    %lt3A_36 = vector.broadcast %lt3A_35 : i32 to vector<16xi32>
    %lt3A_37 = arith.cmpi slt, %add3A_34, %lt3A_36 : vector<16xi32>
    %dma_wait3A = arith.constant 0 : i32
    %dma_wait3A_38 = tpu.memref_slice %arg6[%dma_wait3A] : memref<3072xi32, #tpu.memory_space<vmem>> -> memref<1024xi32, #tpu.memory_space<vmem>>
    %dma_wait3A_39 = arith.constant 0 : i32
    %dma_wait3A_40 = tpu.memref_slice %arg4[%dma_wait3A_39] : memref<3072xi32, #tpu.memory_space<hbm>> -> memref<1024xi32, #tpu.memory_space<hbm>>
    %dma_wait3A_41 = arith.constant 0 : i32
    %dma_wait3A_42 = tpu.memref_slice %arg6[%dma_wait3A_41] : memref<3072xi32, #tpu.memory_space<vmem>> -> memref<1024xi32, #tpu.memory_space<vmem>>
    %dma_wait3A_43 = arith.constant 0 : i32
    %dma_wait3A_44 = tpu.memref_slice %arg4[%dma_wait3A_43] : memref<3072xi32, #tpu.memory_space<hbm>> -> memref<1024xi32, #tpu.memory_space<hbm>>
    tpu.wait_dma2 semaphore(%arg17 : memref<!tpu.dma_semaphore, #tpu.memory_space<semaphore_mem>>) src(%dma_wait3A_44 : memref<1024xi32, #tpu.memory_space<hbm>>) dst(%dma_wait3A_42 : memref<1024xi32, #tpu.memory_space<vmem>>)
    %get3A = arith.index_cast %add3A_24 : i32 to index
    %get3A_45 = tpu.vector_load %arg6[%get3A] {strides = array<i32>} : memref<3072xi32, #tpu.memory_space<vmem>>, vector<16xi32>,
    %mul3A_46 = arith.constant 512 : i32
    %mul3A_47 = vector.broadcast %mul3A_46 : i32 to vector<16xi32>
    %mul3A_48 = arith.muli %get3A_45, %mul3A_47 : vector<16xi32>
    %add3A_49 = arith.constant 512 : i32
    %add3A_50 = arith.addi %add3A_49, %add3A_24 : i32
    %get3A_51 = arith.index_cast %add3A_50 : i32 to index
    %get3A_52 = tpu.vector_load %arg6[%get3A_51] {strides = array<i32>} : memref<3072xi32, #tpu.memory_space<vmem>>, vector<16xi32>,
    %add3A_53 = arith.addi %mul3A_48, %get3A_52 : vector<16xi32>
    %add3A_54 = arith.constant 0 : i32
    %add3A_55 = vector.broadcast %add3A_54 : i32 to vector<16xi32>
    %add3A_56 = arith.addi %add3A_53, %add3A_55 : vector<16xi32>
    %swap3A = arith.constant 0 : index
    %swap3A_57 = tpu.vector_load %arg7[%swap3A] {strides = array<i32>} : memref<96xi32, #tpu.memory_space<vmem>>, vector<16xi32>,
    tpu.vector_store %arg7[%swap3A], %add3A_56 {strides = array<i32>} : memref<96xi32, #tpu.memory_space<vmem>>, vector<16xi32>,
    %add3A_58 = arith.constant 262144 : i32
    %add3A_59 = vector.broadcast %add3A_58 : i32 to vector<16xi32>
    %add3A_60 = arith.addi %add3A_53, %add3A_59 : vector<16xi32>
    %swap3A_61 = arith.constant 32 : index
    %swap3A_62 = tpu.vector_load %arg7[%swap3A_61] {strides = array<i32>} : memref<96xi32, #tpu.memory_space<vmem>>, vector<16xi32>,
    tpu.vector_store %arg7[%swap3A_61], %add3A_60 {strides = array<i32>} : memref<96xi32, #tpu.memory_space<vmem>>, vector<16xi32>,
    %add3A_63 = arith.constant 524288 : i32
    %add3A_64 = vector.broadcast %add3A_63 : i32 to vector<16xi32>
    %add3A_65 = arith.addi %add3A_53, %add3A_64 : vector<16xi32>
    %swap3A_66 = arith.constant 64 : index
    %swap3A_67 = tpu.vector_load %arg7[%swap3A_66] {strides = array<i32>} : memref<96xi32, #tpu.memory_space<vmem>>, vector<16xi32>,
    tpu.vector_store %arg7[%swap3A_66], %add3A_65 {strides = array<i32>} : memref<96xi32, #tpu.memory_space<vmem>>, vector<16xi32>,
    %get3A_68 = arith.index_cast %add3A_32 : i32 to index
    %get3A_69 = tpu.vector_load %arg6[%get3A_68] {strides = array<i32>} : memref<3072xi32, #tpu.memory_space<vmem>>, vector<16xi32>,
    %mul3A_70 = arith.constant 512 : i32
    %mul3A_71 = vector.broadcast %mul3A_70 : i32 to vector<16xi32>
    %mul3A_72 = arith.muli %get3A_69, %mul3A_71 : vector<16xi32>
    %add3A_73 = arith.constant 512 : i32
    %add3A_74 = arith.addi %add3A_73, %add3A_32 : i32
    %get3A_75 = arith.index_cast %add3A_74 : i32 to index
    %get3A_76 = tpu.vector_load %arg6[%get3A_75] {strides = array<i32>} : memref<3072xi32, #tpu.memory_space<vmem>>, vector<16xi32>,
    %add3A_77 = arith.addi %mul3A_72, %get3A_76 : vector<16xi32>
    %add3A_78 = arith.constant 0 : i32
    %add3A_79 = vector.broadcast %add3A_78 : i32 to vector<16xi32>
    %add3A_80 = arith.addi %add3A_77, %add3A_79 : vector<16xi32>
    %swap3A_81 = arith.constant 16 : index
    %swap3A_82 = tpu.vector_load %arg7[%swap3A_81] {strides = array<i32>} : memref<96xi32, #tpu.memory_space<vmem>>, vector<16xi32>,
    tpu.vector_store %arg7[%swap3A_81], %add3A_80 {strides = array<i32>} : memref<96xi32, #tpu.memory_space<vmem>>, vector<16xi32>,
    %add3A_83 = arith.constant 262144 : i32
    %add3A_84 = vector.broadcast %add3A_83 : i32 to vector<16xi32>
    %add3A_85 = arith.addi %add3A_77, %add3A_84 : vector<16xi32>
    %swap3A_86 = arith.constant 48 : index
    %swap3A_87 = tpu.vector_load %arg7[%swap3A_86] {strides = array<i32>} : memref<96xi32, #tpu.memory_space<vmem>>, vector<16xi32>,
    tpu.vector_store %arg7[%swap3A_86], %add3A_85 {strides = array<i32>} : memref<96xi32, #tpu.memory_space<vmem>>, vector<16xi32>,
    %add3A_88 = arith.constant 524288 : i32
    %add3A_89 = vector.broadcast %add3A_88 : i32 to vector<16xi32>
    %add3A_90 = arith.addi %add3A_77, %add3A_89 : vector<16xi32>
    %swap3A_91 = arith.constant 80 : index
    %swap3A_92 = tpu.vector_load %arg7[%swap3A_91] {strides = array<i32>} : memref<96xi32, #tpu.memory_space<vmem>>, vector<16xi32>,
    tpu.vector_store %arg7[%swap3A_91], %add3A_90 {strides = array<i32>} : memref<96xi32, #tpu.memory_space<vmem>>, vector<16xi32>,
    %dma_start3A_93 = arith.constant 0 : i32
    %dma_start3A_94 = tpu.memref_slice %arg2[%dma_start3A_93] : memref<786432xf32, #tpu.memory_space<hbm>> -> memref<786432xf32, #tpu.memory_space<hbm>>
    tpu.enqueue_indirect_dma source(%dma_start3A_94 : memref<786432xf32, #tpu.memory_space<hbm>>) target(%arg10 : memref<96xf32, #tpu.memory_space<vmem>>) offsets(%arg7 : memref<96xi32, #tpu.memory_space<vmem>>) semaphore(%arg17 : memref<!tpu.dma_semaphore, #tpu.memory_space<semaphore_mem>>)
    %dma_wait3A_95 = arith.constant 1024 : i32
    %dma_wait3A_96 = tpu.memref_slice %arg6[%dma_wait3A_95] : memref<3072xi32, #tpu.memory_space<vmem>> -> memref<1024xi32, #tpu.memory_space<vmem>>
    %dma_wait3A_97 = arith.constant 1024 : i32
    %dma_wait3A_98 = tpu.memref_slice %arg4[%dma_wait3A_97] : memref<3072xi32, #tpu.memory_space<hbm>> -> memref<1024xi32, #tpu.memory_space<hbm>>
    %dma_wait3A_99 = arith.constant 1024 : i32
    %dma_wait3A_100 = tpu.memref_slice %arg6[%dma_wait3A_99] : memref<3072xi32, #tpu.memory_space<vmem>> -> memref<1024xi32, #tpu.memory_space<vmem>>
    %dma_wait3A_101 = arith.constant 1024 : i32
    %dma_wait3A_102 = tpu.memref_slice %arg4[%dma_wait3A_101] : memref<3072xi32, #tpu.memory_space<hbm>> -> memref<1024xi32, #tpu.memory_space<hbm>>
    tpu.wait_dma2 semaphore(%arg18 : memref<!tpu.dma_semaphore, #tpu.memory_space<semaphore_mem>>) src(%dma_wait3A_102 : memref<1024xi32, #tpu.memory_space<hbm>>) dst(%dma_wait3A_100 : memref<1024xi32, #tpu.memory_space<vmem>>)
    %add3A_103 = arith.constant 1024 : i32
    %add3A_104 = arith.addi %add3A_103, %add3A_24 : i32
    %get3A_105 = arith.index_cast %add3A_104 : i32 to index
    %get3A_106 = tpu.vector_load %arg6[%get3A_105] {strides = array<i32>} : memref<3072xi32, #tpu.memory_space<vmem>>, vector<16xi32>,
    %mul3A_107 = arith.constant 512 : i32
    %mul3A_108 = vector.broadcast %mul3A_107 : i32 to vector<16xi32>
    %mul3A_109 = arith.muli %get3A_106, %mul3A_108 : vector<16xi32>
    %add3A_110 = arith.constant 1536 : i32
    %add3A_111 = arith.addi %add3A_110, %add3A_24 : i32
    %get3A_112 = arith.index_cast %add3A_111 : i32 to index
    %get3A_113 = tpu.vector_load %arg6[%get3A_112] {strides = array<i32>} : memref<3072xi32, #tpu.memory_space<vmem>>, vector<16xi32>,
    %add3A_114 = arith.addi %mul3A_109, %get3A_113 : vector<16xi32>
    %add3A_115 = arith.constant 0 : i32
    %add3A_116 = vector.broadcast %add3A_115 : i32 to vector<16xi32>
    %add3A_117 = arith.addi %add3A_114, %add3A_116 : vector<16xi32>
    %swap3A_118 = arith.constant 0 : index
    %swap3A_119 = tpu.vector_load %arg8[%swap3A_118] {strides = array<i32>} : memref<96xi32, #tpu.memory_space<vmem>>, vector<16xi32>,
    tpu.vector_store %arg8[%swap3A_118], %add3A_117 {strides = array<i32>} : memref<96xi32, #tpu.memory_space<vmem>>, vector<16xi32>,
    %add3A_120 = arith.constant 262144 : i32
    %add3A_121 = vector.broadcast %add3A_120 : i32 to vector<16xi32>
    %add3A_122 = arith.addi %add3A_114, %add3A_121 : vector<16xi32>
    %swap3A_123 = arith.constant 32 : index
    %swap3A_124 = tpu.vector_load %arg8[%swap3A_123] {strides = array<i32>} : memref<96xi32, #tpu.memory_space<vmem>>, vector<16xi32>,
    tpu.vector_store %arg8[%swap3A_123], %add3A_122 {strides = array<i32>} : memref<96xi32, #tpu.memory_space<vmem>>, vector<16xi32>,
    %add3A_125 = arith.constant 524288 : i32
    %add3A_126 = vector.broadcast %add3A_125 : i32 to vector<16xi32>
    %add3A_127 = arith.addi %add3A_114, %add3A_126 : vector<16xi32>
    %swap3A_128 = arith.constant 64 : index
    %swap3A_129 = tpu.vector_load %arg8[%swap3A_128] {strides = array<i32>} : memref<96xi32, #tpu.memory_space<vmem>>, vector<16xi32>,
    tpu.vector_store %arg8[%swap3A_128], %add3A_127 {strides = array<i32>} : memref<96xi32, #tpu.memory_space<vmem>>, vector<16xi32>,
    %add3A_130 = arith.constant 1024 : i32
    %add3A_131 = arith.addi %add3A_130, %add3A_32 : i32
    %get3A_132 = arith.index_cast %add3A_131 : i32 to index
    %get3A_133 = tpu.vector_load %arg6[%get3A_132] {strides = array<i32>} : memref<3072xi32, #tpu.memory_space<vmem>>, vector<16xi32>,
    %mul3A_134 = arith.constant 512 : i32
    %mul3A_135 = vector.broadcast %mul3A_134 : i32 to vector<16xi32>
    %mul3A_136 = arith.muli %get3A_133, %mul3A_135 : vector<16xi32>
    %add3A_137 = arith.constant 1536 : i32
    %add3A_138 = arith.addi %add3A_137, %add3A_32 : i32
    %get3A_139 = arith.index_cast %add3A_138 : i32 to index
    %get3A_140 = tpu.vector_load %arg6[%get3A_139] {strides = array<i32>} : memref<3072xi32, #tpu.memory_space<vmem>>, vector<16xi32>,
    %add3A_141 = arith.addi %mul3A_136, %get3A_140 : vector<16xi32>
    %add3A_142 = arith.constant 0 : i32
    %add3A_143 = vector.broadcast %add3A_142 : i32 to vector<16xi32>
    %add3A_144 = arith.addi %add3A_141, %add3A_143 : vector<16xi32>
    %swap3A_145 = arith.constant 16 : index
    %swap3A_146 = tpu.vector_load %arg8[%swap3A_145] {strides = array<i32>} : memref<96xi32, #tpu.memory_space<vmem>>, vector<16xi32>,
    tpu.vector_store %arg8[%swap3A_145], %add3A_144 {strides = array<i32>} : memref<96xi32, #tpu.memory_space<vmem>>, vector<16xi32>,
    %add3A_147 = arith.constant 262144 : i32
    %add3A_148 = vector.broadcast %add3A_147 : i32 to vector<16xi32>
    %add3A_149 = arith.addi %add3A_141, %add3A_148 : vector<16xi32>
    %swap3A_150 = arith.constant 48 : index
    %swap3A_151 = tpu.vector_load %arg8[%swap3A_150] {strides = array<i32>} : memref<96xi32, #tpu.memory_space<vmem>>, vector<16xi32>,
    tpu.vector_store %arg8[%swap3A_150], %add3A_149 {strides = array<i32>} : memref<96xi32, #tpu.memory_space<vmem>>, vector<16xi32>,
    %add3A_152 = arith.constant 524288 : i32
    %add3A_153 = vector.broadcast %add3A_152 : i32 to vector<16xi32>
    %add3A_154 = arith.addi %add3A_141, %add3A_153 : vector<16xi32>
    %swap3A_155 = arith.constant 80 : index
    %swap3A_156 = tpu.vector_load %arg8[%swap3A_155] {strides = array<i32>} : memref<96xi32, #tpu.memory_space<vmem>>, vector<16xi32>,
    tpu.vector_store %arg8[%swap3A_155], %add3A_154 {strides = array<i32>} : memref<96xi32, #tpu.memory_space<vmem>>, vector<16xi32>,
    %dma_start3A_157 = arith.constant 0 : i32
    %dma_start3A_158 = tpu.memref_slice %arg3[%dma_start3A_157] : memref<786432xf32, #tpu.memory_space<hbm>> -> memref<786432xf32, #tpu.memory_space<hbm>>
    tpu.enqueue_indirect_dma source(%dma_start3A_158 : memref<786432xf32, #tpu.memory_space<hbm>>) target(%arg11 : memref<96xf32, #tpu.memory_space<vmem>>) offsets(%arg8 : memref<96xi32, #tpu.memory_space<vmem>>) semaphore(%arg18 : memref<!tpu.dma_semaphore, #tpu.memory_space<semaphore_mem>>)
    %dma_wait3A_159 = arith.constant 2048 : i32
    %dma_wait3A_160 = tpu.memref_slice %arg6[%dma_wait3A_159] : memref<3072xi32, #tpu.memory_space<vmem>> -> memref<1024xi32, #tpu.memory_space<vmem>>
    %dma_wait3A_161 = arith.constant 2048 : i32
    %dma_wait3A_162 = tpu.memref_slice %arg4[%dma_wait3A_161] : memref<3072xi32, #tpu.memory_space<hbm>> -> memref<1024xi32, #tpu.memory_space<hbm>>
    %dma_wait3A_163 = arith.constant 2048 : i32
    %dma_wait3A_164 = tpu.memref_slice %arg6[%dma_wait3A_163] : memref<3072xi32, #tpu.memory_space<vmem>> -> memref<1024xi32, #tpu.memory_space<vmem>>
    %dma_wait3A_165 = arith.constant 2048 : i32
    %dma_wait3A_166 = tpu.memref_slice %arg4[%dma_wait3A_165] : memref<3072xi32, #tpu.memory_space<hbm>> -> memref<1024xi32, #tpu.memory_space<hbm>>
    tpu.wait_dma2 semaphore(%arg19 : memref<!tpu.dma_semaphore, #tpu.memory_space<semaphore_mem>>) src(%dma_wait3A_166 : memref<1024xi32, #tpu.memory_space<hbm>>) dst(%dma_wait3A_164 : memref<1024xi32, #tpu.memory_space<vmem>>)
    %add3A_167 = arith.constant 2048 : i32
    %add3A_168 = arith.addi %add3A_167, %add3A_24 : i32
    %get3A_169 = arith.index_cast %add3A_168 : i32 to index
    %get3A_170 = tpu.vector_load %arg6[%get3A_169] {strides = array<i32>} : memref<3072xi32, #tpu.memory_space<vmem>>, vector<16xi32>,
    %mul3A_171 = arith.constant 512 : i32
    %mul3A_172 = vector.broadcast %mul3A_171 : i32 to vector<16xi32>
    %mul3A_173 = arith.muli %get3A_170, %mul3A_172 : vector<16xi32>
    %add3A_174 = arith.constant 2560 : i32
    %add3A_175 = arith.addi %add3A_174, %add3A_24 : i32
    %get3A_176 = arith.index_cast %add3A_175 : i32 to index
    %get3A_177 = tpu.vector_load %arg6[%get3A_176] {strides = array<i32>} : memref<3072xi32, #tpu.memory_space<vmem>>, vector<16xi32>,
    %add3A_178 = arith.addi %mul3A_173, %get3A_177 : vector<16xi32>
    %add3A_179 = arith.constant 0 : i32
    %add3A_180 = vector.broadcast %add3A_179 : i32 to vector<16xi32>
    %add3A_181 = arith.addi %add3A_178, %add3A_180 : vector<16xi32>
    %swap3A_182 = arith.constant 0 : index
    %swap3A_183 = tpu.vector_load %arg9[%swap3A_182] {strides = array<i32>} : memref<96xi32, #tpu.memory_space<vmem>>, vector<16xi32>,
    tpu.vector_store %arg9[%swap3A_182], %add3A_181 {strides = array<i32>} : memref<96xi32, #tpu.memory_space<vmem>>, vector<16xi32>,
    %add3A_184 = arith.constant 262144 : i32
    %add3A_185 = vector.broadcast %add3A_184 : i32 to vector<16xi32>
    %add3A_186 = arith.addi %add3A_178, %add3A_185 : vector<16xi32>
    %swap3A_187 = arith.constant 32 : index
    %swap3A_188 = tpu.vector_load %arg9[%swap3A_187] {strides = array<i32>} : memref<96xi32, #tpu.memory_space<vmem>>, vector<16xi32>,
    tpu.vector_store %arg9[%swap3A_187], %add3A_186 {strides = array<i32>} : memref<96xi32, #tpu.memory_space<vmem>>, vector<16xi32>,
    %add3A_189 = arith.constant 524288 : i32
    %add3A_190 = vector.broadcast %add3A_189 : i32 to vector<16xi32>
    %add3A_191 = arith.addi %add3A_178, %add3A_190 : vector<16xi32>
    %swap3A_192 = arith.constant 64 : index
    %swap3A_193 = tpu.vector_load %arg9[%swap3A_192] {strides = array<i32>} : memref<96xi32, #tpu.memory_space<vmem>>, vector<16xi32>,
    tpu.vector_store %arg9[%swap3A_192], %add3A_191 {strides = array<i32>} : memref<96xi32, #tpu.memory_space<vmem>>, vector<16xi32>,
    %add3A_194 = arith.constant 2048 : i32
    %add3A_195 = arith.addi %add3A_194, %add3A_32 : i32
    %get3A_196 = arith.index_cast %add3A_195 : i32 to index
    %get3A_197 = tpu.vector_load %arg6[%get3A_196] {strides = array<i32>} : memref<3072xi32, #tpu.memory_space<vmem>>, vector<16xi32>,
    %mul3A_198 = arith.constant 512 : i32
    %mul3A_199 = vector.broadcast %mul3A_198 : i32 to vector<16xi32>
    %mul3A_200 = arith.muli %get3A_197, %mul3A_199 : vector<16xi32>
    %add3A_201 = arith.constant 2560 : i32
    %add3A_202 = arith.addi %add3A_201, %add3A_32 : i32
    %get3A_203 = arith.index_cast %add3A_202 : i32 to index
    %get3A_204 = tpu.vector_load %arg6[%get3A_203] {strides = array<i32>} : memref<3072xi32, #tpu.memory_space<vmem>>, vector<16xi32>,
    %add3A_205 = arith.addi %mul3A_200, %get3A_204 : vector<16xi32>
    %add3A_206 = arith.constant 0 : i32
    %add3A_207 = vector.broadcast %add3A_206 : i32 to vector<16xi32>
    %add3A_208 = arith.addi %add3A_205, %add3A_207 : vector<16xi32>
    %swap3A_209 = arith.constant 16 : index
    %swap3A_210 = tpu.vector_load %arg9[%swap3A_209] {strides = array<i32>} : memref<96xi32, #tpu.memory_space<vmem>>, vector<16xi32>,
    tpu.vector_store %arg9[%swap3A_209], %add3A_208 {strides = array<i32>} : memref<96xi32, #tpu.memory_space<vmem>>, vector<16xi32>,
    %add3A_211 = arith.constant 262144 : i32
    %add3A_212 = vector.broadcast %add3A_211 : i32 to vector<16xi32>
    %add3A_213 = arith.addi %add3A_205, %add3A_212 : vector<16xi32>
    %swap3A_214 = arith.constant 48 : index
    %swap3A_215 = tpu.vector_load %arg9[%swap3A_214] {strides = array<i32>} : memref<96xi32, #tpu.memory_space<vmem>>, vector<16xi32>,
    tpu.vector_store %arg9[%swap3A_214], %add3A_213 {strides = array<i32>} : memref<96xi32, #tpu.memory_space<vmem>>, vector<16xi32>,
    %add3A_216 = arith.constant 524288 : i32
    %add3A_217 = vector.broadcast %add3A_216 : i32 to vector<16xi32>
    %add3A_218 = arith.addi %add3A_205, %add3A_217 : vector<16xi32>
    %swap3A_219 = arith.constant 80 : index
    %swap3A_220 = tpu.vector_load %arg9[%swap3A_219] {strides = array<i32>} : memref<96xi32, #tpu.memory_space<vmem>>, vector<16xi32>,
    tpu.vector_store %arg9[%swap3A_219], %add3A_218 {strides = array<i32>} : memref<96xi32, #tpu.memory_space<vmem>>, vector<16xi32>,
    %dma_start3A_221 = arith.constant 0 : i32
    %dma_start3A_222 = tpu.memref_slice %arg3[%dma_start3A_221] : memref<786432xf32, #tpu.memory_space<hbm>> -> memref<786432xf32, #tpu.memory_space<hbm>>
    tpu.enqueue_indirect_dma source(%dma_start3A_222 : memref<786432xf32, #tpu.memory_space<hbm>>) target(%arg12 : memref<96xf32, #tpu.memory_space<vmem>>) offsets(%arg9 : memref<96xi32, #tpu.memory_space<vmem>>) semaphore(%arg19 : memref<!tpu.dma_semaphore, #tpu.memory_space<semaphore_mem>>)
    %dma_wait3A_223 = arith.constant 0 : i32
    %dma_wait3A_224 = tpu.memref_slice %arg2[%dma_wait3A_223] : memref<786432xf32, #tpu.memory_space<hbm>> -> memref<786432xf32, #tpu.memory_space<hbm>>
    tpu.wait_indirect_dma semaphore(%arg17 : memref<!tpu.dma_semaphore, #tpu.memory_space<semaphore_mem>>) src(%dma_wait3A_224 : memref<786432xf32, #tpu.memory_space<hbm>>) dst(%arg10 : memref<96xf32, #tpu.memory_space<vmem>>)
    %dma_wait3A_225 = arith.constant 0 : i32
    %dma_wait3A_226 = tpu.memref_slice %arg3[%dma_wait3A_225] : memref<786432xf32, #tpu.memory_space<hbm>> -> memref<786432xf32, #tpu.memory_space<hbm>>
    tpu.wait_indirect_dma semaphore(%arg18 : memref<!tpu.dma_semaphore, #tpu.memory_space<semaphore_mem>>) src(%dma_wait3A_226 : memref<786432xf32, #tpu.memory_space<hbm>>) dst(%arg11 : memref<96xf32, #tpu.memory_space<vmem>>)
    %dma_wait3A_227 = arith.constant 0 : i32
    %dma_wait3A_228 = tpu.memref_slice %arg3[%dma_wait3A_227] : memref<786432xf32, #tpu.memory_space<hbm>> -> memref<786432xf32, #tpu.memory_space<hbm>>
    tpu.wait_indirect_dma semaphore(%arg19 : memref<!tpu.dma_semaphore, #tpu.memory_space<semaphore_mem>>) src(%dma_wait3A_228 : memref<786432xf32, #tpu.memory_space<hbm>>) dst(%arg12 : memref<96xf32, #tpu.memory_space<vmem>>)
    %broadcast_in_dim3A = arith.constant 0.000000e+00 : f32
    %broadcast_in_dim3A_229 = vector.broadcast %broadcast_in_dim3A : f32 to vector<16xf32>
    %get3A_230 = arith.constant 0 : index
    %get3A_231 = tpu.vector_load %arg10[%get3A_230] {strides = array<i32>} : memref<96xf32, #tpu.memory_space<vmem>>, vector<16xf32>,
    %jit3A = arith.constant 0.000000e+00 : f32
    %broadcast_in_dim3A_232 = vector.broadcast %jit3A : f32 to vector<16xf32>
    %select_n3A = arith.select %lt3A_28, %get3A_231, %broadcast_in_dim3A_232 : vector<16xi1>, vector<16xf32>
    %get3A_233 = arith.constant 32 : index
    %get3A_234 = tpu.vector_load %arg10[%get3A_233] {strides = array<i32>} : memref<96xf32, #tpu.memory_space<vmem>>, vector<16xf32>,
    %jit3A_235 = arith.constant 0.000000e+00 : f32
    %broadcast_in_dim3A_236 = vector.broadcast %jit3A_235 : f32 to vector<16xf32>
    %select_n3A_237 = arith.select %lt3A_28, %get3A_234, %broadcast_in_dim3A_236 : vector<16xi1>, vector<16xf32>
    %get3A_238 = arith.constant 64 : index
    %get3A_239 = tpu.vector_load %arg10[%get3A_238] {strides = array<i32>} : memref<96xf32, #tpu.memory_space<vmem>>, vector<16xf32>,
    %jit3A_240 = arith.constant 0.000000e+00 : f32
    %broadcast_in_dim3A_241 = vector.broadcast %jit3A_240 : f32 to vector<16xf32>
    %select_n3A_242 = arith.select %lt3A_28, %get3A_239, %broadcast_in_dim3A_241 : vector<16xi1>, vector<16xf32>
    %get3A_243 = arith.constant 0 : index
    %get3A_244 = tpu.vector_load %arg11[%get3A_243] {strides = array<i32>} : memref<96xf32, #tpu.memory_space<vmem>>, vector<16xf32>,
    %jit3A_245 = arith.constant 0.000000e+00 : f32
    %broadcast_in_dim3A_246 = vector.broadcast %jit3A_245 : f32 to vector<16xf32>
    %select_n3A_247 = arith.select %lt3A_28, %get3A_244, %broadcast_in_dim3A_246 : vector<16xi1>, vector<16xf32>
    %get3A_248 = arith.constant 32 : index
    %get3A_249 = tpu.vector_load %arg11[%get3A_248] {strides = array<i32>} : memref<96xf32, #tpu.memory_space<vmem>>, vector<16xf32>,
    %jit3A_250 = arith.constant 0.000000e+00 : f32
    %broadcast_in_dim3A_251 = vector.broadcast %jit3A_250 : f32 to vector<16xf32>
    %select_n3A_252 = arith.select %lt3A_28, %get3A_249, %broadcast_in_dim3A_251 : vector<16xi1>, vector<16xf32>
    %get3A_253 = arith.constant 64 : index
    %get3A_254 = tpu.vector_load %arg11[%get3A_253] {strides = array<i32>} : memref<96xf32, #tpu.memory_space<vmem>>, vector<16xf32>,
    %jit3A_255 = arith.constant 0.000000e+00 : f32
    %broadcast_in_dim3A_256 = vector.broadcast %jit3A_255 : f32 to vector<16xf32>
    %select_n3A_257 = arith.select %lt3A_28, %get3A_254, %broadcast_in_dim3A_256 : vector<16xi1>, vector<16xf32>
    %get3A_258 = arith.constant 0 : index
    %get3A_259 = tpu.vector_load %arg12[%get3A_258] {strides = array<i32>} : memref<96xf32, #tpu.memory_space<vmem>>, vector<16xf32>,
    %jit3A_260 = arith.constant 0.000000e+00 : f32
    %broadcast_in_dim3A_261 = vector.broadcast %jit3A_260 : f32 to vector<16xf32>
    %select_n3A_262 = arith.select %lt3A_28, %get3A_259, %broadcast_in_dim3A_261 : vector<16xi1>, vector<16xf32>
    %get3A_263 = arith.constant 32 : index
    %get3A_264 = tpu.vector_load %arg12[%get3A_263] {strides = array<i32>} : memref<96xf32, #tpu.memory_space<vmem>>, vector<16xf32>,
    %jit3A_265 = arith.constant 0.000000e+00 : f32
    %broadcast_in_dim3A_266 = vector.broadcast %jit3A_265 : f32 to vector<16xf32>
    %select_n3A_267 = arith.select %lt3A_28, %get3A_264, %broadcast_in_dim3A_266 : vector<16xi1>, vector<16xf32>
    %get3A_268 = arith.constant 64 : index
    %get3A_269 = tpu.vector_load %arg12[%get3A_268] {strides = array<i32>} : memref<96xf32, #tpu.memory_space<vmem>>, vector<16xf32>,
    %jit3A_270 = arith.constant 0.000000e+00 : f32
    %broadcast_in_dim3A_271 = vector.broadcast %jit3A_270 : f32 to vector<16xf32>
    %select_n3A_272 = arith.select %lt3A_28, %get3A_269, %broadcast_in_dim3A_271 : vector<16xi1>, vector<16xf32>
    %sub3A = arith.subf %select_n3A, %select_n3A_247 : vector<16xf32>
    %mul3A_273 = arith.mulf %sub3A, %sub3A : vector<16xf32>
    %add3A_274 = arith.addf %broadcast_in_dim3A_229, %mul3A_273 : vector<16xf32>
    %sub3A_275 = arith.subf %select_n3A_237, %select_n3A_252 : vector<16xf32>
    %mul3A_276 = arith.mulf %sub3A_275, %sub3A_275 : vector<16xf32>
    %add3A_277 = arith.addf %broadcast_in_dim3A_229, %mul3A_276 : vector<16xf32>
    %sub3A_278 = arith.subf %select_n3A_242, %select_n3A_257 : vector<16xf32>
    %mul3A_279 = arith.mulf %sub3A_278, %sub3A_278 : vector<16xf32>
    %add3A_280 = arith.addf %broadcast_in_dim3A_229, %mul3A_279 : vector<16xf32>
    %sub3A_281 = arith.subf %select_n3A, %select_n3A_262 : vector<16xf32>
    %mul3A_282 = arith.mulf %sub3A_281, %sub3A_281 : vector<16xf32>
    %add3A_283 = arith.addf %broadcast_in_dim3A_229, %mul3A_282 : vector<16xf32>
    %sub3A_284 = arith.subf %select_n3A_237, %select_n3A_262 : vector<16xf32>
    %mul3A_285 = arith.mulf %sub3A_284, %sub3A_284 : vector<16xf32>
    %add3A_286 = arith.addf %broadcast_in_dim3A_229, %mul3A_285 : vector<16xf32>
    %sub3A_287 = arith.subf %select_n3A_242, %select_n3A_262 : vector<16xf32>
    %mul3A_288 = arith.mulf %sub3A_287, %sub3A_287 : vector<16xf32>
    %add3A_289 = arith.addf %broadcast_in_dim3A_229, %mul3A_288 : vector<16xf32>
    %sub3A_290 = arith.subf %select_n3A, %select_n3A_267 : vector<16xf32>
    %mul3A_291 = arith.mulf %sub3A_290, %sub3A_290 : vector<16xf32>
    %add3A_292 = arith.addf %broadcast_in_dim3A_229, %mul3A_291 : vector<16xf32>
    %sub3A_293 = arith.subf %select_n3A_237, %select_n3A_267 : vector<16xf32>
    %mul3A_294 = arith.mulf %sub3A_293, %sub3A_293 : vector<16xf32>
    %add3A_295 = arith.addf %broadcast_in_dim3A_229, %mul3A_294 : vector<16xf32>
    %sub3A_296 = arith.subf %select_n3A_242, %select_n3A_267 : vector<16xf32>
    %mul3A_297 = arith.mulf %sub3A_296, %sub3A_296 : vector<16xf32>
    %add3A_298 = arith.addf %broadcast_in_dim3A_229, %mul3A_297 : vector<16xf32>
    %sub3A_299 = arith.subf %select_n3A, %select_n3A_272 : vector<16xf32>
    %mul3A_300 = arith.mulf %sub3A_299, %sub3A_299 : vector<16xf32>
    %add3A_301 = arith.addf %broadcast_in_dim3A_229, %mul3A_300 : vector<16xf32>
    %sub3A_302 = arith.subf %select_n3A_237, %select_n3A_272 : vector<16xf32>
    %mul3A_303 = arith.mulf %sub3A_302, %sub3A_302 : vector<16xf32>
    %add3A_304 = arith.addf %broadcast_in_dim3A_229, %mul3A_303 : vector<16xf32>
    %sub3A_305 = arith.subf %select_n3A_242, %select_n3A_272 : vector<16xf32>
    %mul3A_306 = arith.mulf %sub3A_305, %sub3A_305 : vector<16xf32>
    %add3A_307 = arith.addf %broadcast_in_dim3A_229, %mul3A_306 : vector<16xf32>
    %get3A_308 = arith.constant 16 : index
    %get3A_309 = tpu.vector_load %arg10[%get3A_308] {strides = array<i32>} : memref<96xf32, #tpu.memory_space<vmem>>, vector<16xf32>,
    %jit3A_310 = arith.constant 0.000000e+00 : f32
    %broadcast_in_dim3A_311 = vector.broadcast %jit3A_310 : f32 to vector<16xf32>
    %select_n3A_312 = arith.select %lt3A_37, %get3A_309, %broadcast_in_dim3A_311 : vector<16xi1>, vector<16xf32>
    %get3A_313 = arith.constant 48 : index
    %get3A_314 = tpu.vector_load %arg10[%get3A_313] {strides = array<i32>} : memref<96xf32, #tpu.memory_space<vmem>>, vector<16xf32>,
    %jit3A_315 = arith.constant 0.000000e+00 : f32
    %broadcast_in_dim3A_316 = vector.broadcast %jit3A_315 : f32 to vector<16xf32>
    %select_n3A_317 = arith.select %lt3A_37, %get3A_314, %broadcast_in_dim3A_316 : vector<16xi1>, vector<16xf32>
    %get3A_318 = arith.constant 80 : index
    %get3A_319 = tpu.vector_load %arg10[%get3A_318] {strides = array<i32>} : memref<96xf32, #tpu.memory_space<vmem>>, vector<16xf32>,
    %jit3A_320 = arith.constant 0.000000e+00 : f32
    %broadcast_in_dim3A_321 = vector.broadcast %jit3A_320 : f32 to vector<16xf32>
    %select_n3A_322 = arith.select %lt3A_37, %get3A_319, %broadcast_in_dim3A_321 : vector<16xi1>, vector<16xf32>
    %get3A_323 = arith.constant 16 : index
    %get3A_324 = tpu.vector_load %arg11[%get3A_323] {strides = array<i32>} : memref<96xf32, #tpu.memory_space<vmem>>, vector<16xf32>,
    %jit3A_325 = arith.constant 0.000000e+00 : f32
    %broadcast_in_dim3A_326 = vector.broadcast %jit3A_325 : f32 to vector<16xf32>
    %select_n3A_327 = arith.select %lt3A_37, %get3A_324, %broadcast_in_dim3A_326 : vector<16xi1>, vector<16xf32>
    %get3A_328 = arith.constant 48 : index
    %get3A_329 = tpu.vector_load %arg11[%get3A_328] {strides = array<i32>} : memref<96xf32, #tpu.memory_space<vmem>>, vector<16xf32>,
    %jit3A_330 = arith.constant 0.000000e+00 : f32
    %broadcast_in_dim3A_331 = vector.broadcast %jit3A_330 : f32 to vector<16xf32>
    %select_n3A_332 = arith.select %lt3A_37, %get3A_329, %broadcast_in_dim3A_331 : vector<16xi1>, vector<16xf32>
    %get3A_333 = arith.constant 80 : index
    %get3A_334 = tpu.vector_load %arg11[%get3A_333] {strides = array<i32>} : memref<96xf32, #tpu.memory_space<vmem>>, vector<16xf32>,
    %jit3A_335 = arith.constant 0.000000e+00 : f32
    %broadcast_in_dim3A_336 = vector.broadcast %jit3A_335 : f32 to vector<16xf32>
    %select_n3A_337 = arith.select %lt3A_37, %get3A_334, %broadcast_in_dim3A_336 : vector<16xi1>, vector<16xf32>
    %get3A_338 = arith.constant 16 : index
    %get3A_339 = tpu.vector_load %arg12[%get3A_338] {strides = array<i32>} : memref<96xf32, #tpu.memory_space<vmem>>, vector<16xf32>,
    %jit3A_340 = arith.constant 0.000000e+00 : f32
    %broadcast_in_dim3A_341 = vector.broadcast %jit3A_340 : f32 to vector<16xf32>
    %select_n3A_342 = arith.select %lt3A_37, %get3A_339, %broadcast_in_dim3A_341 : vector<16xi1>, vector<16xf32>
    %get3A_343 = arith.constant 48 : index
    %get3A_344 = tpu.vector_load %arg12[%get3A_343] {strides = array<i32>} : memref<96xf32, #tpu.memory_space<vmem>>, vector<16xf32>,
    %jit3A_345 = arith.constant 0.000000e+00 : f32
    %broadcast_in_dim3A_346 = vector.broadcast %jit3A_345 : f32 to vector<16xf32>
    %select_n3A_347 = arith.select %lt3A_37, %get3A_344, %broadcast_in_dim3A_346 : vector<16xi1>, vector<16xf32>
    %get3A_348 = arith.constant 80 : index
    %get3A_349 = tpu.vector_load %arg12[%get3A_348] {strides = array<i32>} : memref<96xf32, #tpu.memory_space<vmem>>, vector<16xf32>,
    %jit3A_350 = arith.constant 0.000000e+00 : f32
    %broadcast_in_dim3A_351 = vector.broadcast %jit3A_350 : f32 to vector<16xf32>
    %select_n3A_352 = arith.select %lt3A_37, %get3A_349, %broadcast_in_dim3A_351 : vector<16xi1>, vector<16xf32>
    %sub3A_353 = arith.subf %select_n3A_312, %select_n3A_327 : vector<16xf32>
    %mul3A_354 = arith.mulf %sub3A_353, %sub3A_353 : vector<16xf32>
    %add3A_355 = arith.addf %add3A_274, %mul3A_354 : vector<16xf32>
    %sub3A_356 = arith.subf %select_n3A_317, %select_n3A_332 : vector<16xf32>
    %mul3A_357 = arith.mulf %sub3A_356, %sub3A_356 : vector<16xf32>
    %add3A_358 = arith.addf %add3A_277, %mul3A_357 : vector<16xf32>
    %sub3A_359 = arith.subf %select_n3A_322, %select_n3A_337 : vector<16xf32>
    %mul3A_360 = arith.mulf %sub3A_359, %sub3A_359 : vector<16xf32>
    %add3A_361 = arith.addf %add3A_280, %mul3A_360 : vector<16xf32>
    %sub3A_362 = arith.subf %select_n3A_312, %select_n3A_342 : vector<16xf32>
    %mul3A_363 = arith.mulf %sub3A_362, %sub3A_362 : vector<16xf32>
    %add3A_364 = arith.addf %add3A_283, %mul3A_363 : vector<16xf32>
    %sub3A_365 = arith.subf %select_n3A_317, %select_n3A_342 : vector<16xf32>
    %mul3A_366 = arith.mulf %sub3A_365, %sub3A_365 : vector<16xf32>
    %add3A_367 = arith.addf %add3A_286, %mul3A_366 : vector<16xf32>
    %sub3A_368 = arith.subf %select_n3A_322, %select_n3A_342 : vector<16xf32>
    %mul3A_369 = arith.mulf %sub3A_368, %sub3A_368 : vector<16xf32>
    %add3A_370 = arith.addf %add3A_289, %mul3A_369 : vector<16xf32>
    %sub3A_371 = arith.subf %select_n3A_312, %select_n3A_347 : vector<16xf32>
    %mul3A_372 = arith.mulf %sub3A_371, %sub3A_371 : vector<16xf32>
    %add3A_373 = arith.addf %add3A_292, %mul3A_372 : vector<16xf32>
    %sub3A_374 = arith.subf %select_n3A_317, %select_n3A_347 : vector<16xf32>
    %mul3A_375 = arith.mulf %sub3A_374, %sub3A_374 : vector<16xf32>
    %add3A_376 = arith.addf %add3A_295, %mul3A_375 : vector<16xf32>
    %sub3A_377 = arith.subf %select_n3A_322, %select_n3A_347 : vector<16xf32>
    %mul3A_378 = arith.mulf %sub3A_377, %sub3A_377 : vector<16xf32>
    %add3A_379 = arith.addf %add3A_298, %mul3A_378 : vector<16xf32>
    %sub3A_380 = arith.subf %select_n3A_312, %select_n3A_352 : vector<16xf32>
    %mul3A_381 = arith.mulf %sub3A_380, %sub3A_380 : vector<16xf32>
    %add3A_382 = arith.addf %add3A_301, %mul3A_381 : vector<16xf32>
    %sub3A_383 = arith.subf %select_n3A_317, %select_n3A_352 : vector<16xf32>
    %mul3A_384 = arith.mulf %sub3A_383, %sub3A_383 : vector<16xf32>
    %add3A_385 = arith.addf %add3A_304, %mul3A_384 : vector<16xf32>
    %sub3A_386 = arith.subf %select_n3A_322, %select_n3A_352 : vector<16xf32>
    %mul3A_387 = arith.mulf %sub3A_386, %sub3A_386 : vector<16xf32>
    %add3A_388 = arith.addf %add3A_307, %mul3A_387 : vector<16xf32>
    %eq3A = arith.constant 0 : i32
    %eq3A_389 = vector.broadcast %eq3A : i32 to vector<16xi32>
    %eq3A_390 = arith.cmpi eq, %iota3A, %eq3A_389 : vector<16xi32>
    %reduce_sum3A = arith.constant true
    %reduce_sum3A_391 = vector.broadcast %reduce_sum3A : i1 to vector<16xi1>
    %reduce_sum3A_392 = tpu.scan <sum>, %add3A_355 masked %reduce_sum3A_391 : vector<16xf32>, vector<16xi1> -> vector<16xf32>
    %reduce_sum3A_393 = vector.extract %reduce_sum3A_392[15] : f32 from vector<16xf32>
    %broadcast_in_dim3A_394 = vector.broadcast %reduce_sum3A_393 : f32 to vector<16xf32>
    %select_n3A_395 = arith.select %eq3A_390, %broadcast_in_dim3A_394, %broadcast_in_dim3A_229 : vector<16xi1>, vector<16xf32>
    %eq3A_396 = arith.constant 1 : i32
    %eq3A_397 = vector.broadcast %eq3A_396 : i32 to vector<16xi32>
    %eq3A_398 = arith.cmpi eq, %iota3A, %eq3A_397 : vector<16xi32>
    %reduce_sum3A_399 = arith.constant true
    %reduce_sum3A_400 = vector.broadcast %reduce_sum3A_399 : i1 to vector<16xi1>
    %reduce_sum3A_401 = tpu.scan <sum>, %add3A_358 masked %reduce_sum3A_400 : vector<16xf32>, vector<16xi1> -> vector<16xf32>
    %reduce_sum3A_402 = vector.extract %reduce_sum3A_401[15] : f32 from vector<16xf32>
    %broadcast_in_dim3A_403 = vector.broadcast %reduce_sum3A_402 : f32 to vector<16xf32>
    %select_n3A_404 = arith.select %eq3A_398, %broadcast_in_dim3A_403, %select_n3A_395 : vector<16xi1>, vector<16xf32>
    %eq3A_405 = arith.constant 2 : i32
    %eq3A_406 = vector.broadcast %eq3A_405 : i32 to vector<16xi32>
    %eq3A_407 = arith.cmpi eq, %iota3A, %eq3A_406 : vector<16xi32>
    %reduce_sum3A_408 = arith.constant true
    %reduce_sum3A_409 = vector.broadcast %reduce_sum3A_408 : i1 to vector<16xi1>
    %reduce_sum3A_410 = tpu.scan <sum>, %add3A_361 masked %reduce_sum3A_409 : vector<16xf32>, vector<16xi1> -> vector<16xf32>
    %reduce_sum3A_411 = vector.extract %reduce_sum3A_410[15] : f32 from vector<16xf32>
    %broadcast_in_dim3A_412 = vector.broadcast %reduce_sum3A_411 : f32 to vector<16xf32>
    %select_n3A_413 = arith.select %eq3A_407, %broadcast_in_dim3A_412, %select_n3A_404 : vector<16xi1>, vector<16xf32>
    %eq3A_414 = arith.constant 3 : i32
    %eq3A_415 = vector.broadcast %eq3A_414 : i32 to vector<16xi32>
    %eq3A_416 = arith.cmpi eq, %iota3A, %eq3A_415 : vector<16xi32>
    %reduce_sum3A_417 = arith.constant true
    %reduce_sum3A_418 = vector.broadcast %reduce_sum3A_417 : i1 to vector<16xi1>
    %reduce_sum3A_419 = tpu.scan <sum>, %add3A_364 masked %reduce_sum3A_418 : vector<16xf32>, vector<16xi1> -> vector<16xf32>
    %reduce_sum3A_420 = vector.extract %reduce_sum3A_419[15] : f32 from vector<16xf32>
    %broadcast_in_dim3A_421 = vector.broadcast %reduce_sum3A_420 : f32 to vector<16xf32>
    %select_n3A_422 = arith.select %eq3A_416, %broadcast_in_dim3A_421, %select_n3A_413 : vector<16xi1>, vector<16xf32>
    %eq3A_423 = arith.constant 4 : i32
    %eq3A_424 = vector.broadcast %eq3A_423 : i32 to vector<16xi32>
    %eq3A_425 = arith.cmpi eq, %iota3A, %eq3A_424 : vector<16xi32>
    %reduce_sum3A_426 = arith.constant true
    %reduce_sum3A_427 = vector.broadcast %reduce_sum3A_426 : i1 to vector<16xi1>
    %reduce_sum3A_428 = tpu.scan <sum>, %add3A_367 masked %reduce_sum3A_427 : vector<16xf32>, vector<16xi1> -> vector<16xf32>
    %reduce_sum3A_429 = vector.extract %reduce_sum3A_428[15] : f32 from vector<16xf32>
    %broadcast_in_dim3A_430 = vector.broadcast %reduce_sum3A_429 : f32 to vector<16xf32>
    %select_n3A_431 = arith.select %eq3A_425, %broadcast_in_dim3A_430, %select_n3A_422 : vector<16xi1>, vector<16xf32>
    %eq3A_432 = arith.constant 5 : i32
    %eq3A_433 = vector.broadcast %eq3A_432 : i32 to vector<16xi32>
    %eq3A_434 = arith.cmpi eq, %iota3A, %eq3A_433 : vector<16xi32>
    %reduce_sum3A_435 = arith.constant true
    %reduce_sum3A_436 = vector.broadcast %reduce_sum3A_435 : i1 to vector<16xi1>
    %reduce_sum3A_437 = tpu.scan <sum>, %add3A_370 masked %reduce_sum3A_436 : vector<16xf32>, vector<16xi1> -> vector<16xf32>
    %reduce_sum3A_438 = vector.extract %reduce_sum3A_437[15] : f32 from vector<16xf32>
    %broadcast_in_dim3A_439 = vector.broadcast %reduce_sum3A_438 : f32 to vector<16xf32>
    %select_n3A_440 = arith.select %eq3A_434, %broadcast_in_dim3A_439, %select_n3A_431 : vector<16xi1>, vector<16xf32>
    %eq3A_441 = arith.constant 6 : i32
    %eq3A_442 = vector.broadcast %eq3A_441 : i32 to vector<16xi32>
    %eq3A_443 = arith.cmpi eq, %iota3A, %eq3A_442 : vector<16xi32>
    %reduce_sum3A_444 = arith.constant true
    %reduce_sum3A_445 = vector.broadcast %reduce_sum3A_444 : i1 to vector<16xi1>
    %reduce_sum3A_446 = tpu.scan <sum>, %add3A_373 masked %reduce_sum3A_445 : vector<16xf32>, vector<16xi1> -> vector<16xf32>
    %reduce_sum3A_447 = vector.extract %reduce_sum3A_446[15] : f32 from vector<16xf32>
    %broadcast_in_dim3A_448 = vector.broadcast %reduce_sum3A_447 : f32 to vector<16xf32>
    %select_n3A_449 = arith.select %eq3A_443, %broadcast_in_dim3A_448, %select_n3A_440 : vector<16xi1>, vector<16xf32>
    %eq3A_450 = arith.constant 7 : i32
    %eq3A_451 = vector.broadcast %eq3A_450 : i32 to vector<16xi32>
    %eq3A_452 = arith.cmpi eq, %iota3A, %eq3A_451 : vector<16xi32>
    %reduce_sum3A_453 = arith.constant true
    %reduce_sum3A_454 = vector.broadcast %reduce_sum3A_453 : i1 to vector<16xi1>
    %reduce_sum3A_455 = tpu.scan <sum>, %add3A_376 masked %reduce_sum3A_454 : vector<16xf32>, vector<16xi1> -> vector<16xf32>
    %reduce_sum3A_456 = vector.extract %reduce_sum3A_455[15] : f32 from vector<16xf32>
    %broadcast_in_dim3A_457 = vector.broadcast %reduce_sum3A_456 : f32 to vector<16xf32>
    %select_n3A_458 = arith.select %eq3A_452, %broadcast_in_dim3A_457, %select_n3A_449 : vector<16xi1>, vector<16xf32>
    %eq3A_459 = arith.constant 8 : i32
    %eq3A_460 = vector.broadcast %eq3A_459 : i32 to vector<16xi32>
    %eq3A_461 = arith.cmpi eq, %iota3A, %eq3A_460 : vector<16xi32>
    %reduce_sum3A_462 = arith.constant true
    %reduce_sum3A_463 = vector.broadcast %reduce_sum3A_462 : i1 to vector<16xi1>
    %reduce_sum3A_464 = tpu.scan <sum>, %add3A_379 masked %reduce_sum3A_463 : vector<16xf32>, vector<16xi1> -> vector<16xf32>
    %reduce_sum3A_465 = vector.extract %reduce_sum3A_464[15] : f32 from vector<16xf32>
    %broadcast_in_dim3A_466 = vector.broadcast %reduce_sum3A_465 : f32 to vector<16xf32>
    %select_n3A_467 = arith.select %eq3A_461, %broadcast_in_dim3A_466, %select_n3A_458 : vector<16xi1>, vector<16xf32>
    %eq3A_468 = arith.constant 9 : i32
    %eq3A_469 = vector.broadcast %eq3A_468 : i32 to vector<16xi32>
    %eq3A_470 = arith.cmpi eq, %iota3A, %eq3A_469 : vector<16xi32>
    %reduce_sum3A_471 = arith.constant true
    %reduce_sum3A_472 = vector.broadcast %reduce_sum3A_471 : i1 to vector<16xi1>
    %reduce_sum3A_473 = tpu.scan <sum>, %add3A_382 masked %reduce_sum3A_472 : vector<16xf32>, vector<16xi1> -> vector<16xf32>
    %reduce_sum3A_474 = vector.extract %reduce_sum3A_473[15] : f32 from vector<16xf32>
    %broadcast_in_dim3A_475 = vector.broadcast %reduce_sum3A_474 : f32 to vector<16xf32>
    %select_n3A_476 = arith.select %eq3A_470, %broadcast_in_dim3A_475, %select_n3A_467 : vector<16xi1>, vector<16xf32>
    %eq3A_477 = arith.constant 10 : i32
    %eq3A_478 = vector.broadcast %eq3A_477 : i32 to vector<16xi32>
    %eq3A_479 = arith.cmpi eq, %iota3A, %eq3A_478 : vector<16xi32>
    %reduce_sum3A_480 = arith.constant true
    %reduce_sum3A_481 = vector.broadcast %reduce_sum3A_480 : i1 to vector<16xi1>
    %reduce_sum3A_482 = tpu.scan <sum>, %add3A_385 masked %reduce_sum3A_481 : vector<16xf32>, vector<16xi1> -> vector<16xf32>
    %reduce_sum3A_483 = vector.extract %reduce_sum3A_482[15] : f32 from vector<16xf32>
    %broadcast_in_dim3A_484 = vector.broadcast %reduce_sum3A_483 : f32 to vector<16xf32>
    %select_n3A_485 = arith.select %eq3A_479, %broadcast_in_dim3A_484, %select_n3A_476 : vector<16xi1>, vector<16xf32>
    %eq3A_486 = arith.constant 11 : i32
    %eq3A_487 = vector.broadcast %eq3A_486 : i32 to vector<16xi32>
    %eq3A_488 = arith.cmpi eq, %iota3A, %eq3A_487 : vector<16xi32>
    %reduce_sum3A_489 = arith.constant true
    %reduce_sum3A_490 = vector.broadcast %reduce_sum3A_489 : i1 to vector<16xi1>
    %reduce_sum3A_491 = tpu.scan <sum>, %add3A_388 masked %reduce_sum3A_490 : vector<16xf32>, vector<16xi1> -> vector<16xf32>
    %reduce_sum3A_492 = vector.extract %reduce_sum3A_491[15] : f32 from vector<16xf32>
    %broadcast_in_dim3A_493 = vector.broadcast %reduce_sum3A_492 : f32 to vector<16xf32>
    %select_n3A_494 = arith.select %eq3A_488, %broadcast_in_dim3A_493, %select_n3A_485 : vector<16xi1>, vector<16xf32>
    %swap3A_495 = arith.constant 0 : index
    %swap3A_496 = tpu.vector_load %arg13[%swap3A_495] {strides = array<i32>} : memref<16xf32, #tpu.memory_space<vmem>>, vector<16xf32>,
    tpu.vector_store %arg13[%swap3A_495], %select_n3A_494 {strides = array<i32>} : memref<16xf32, #tpu.memory_space<vmem>>, vector<16xf32>,
    %mul3A_497 = arith.constant 16 : i32
    %mul3A_498 = arith.muli %arg1, %mul3A_497 : i32
    "tpu.region"() ({
      %run_scoped3A = tpu.sem_alloc : memref<!tpu.dma_semaphore, #tpu.memory_space<semaphore_mem>>
      %dma_start3A_502 = tpu.memref_slice %arg15[%mul3A_498] : memref<256xf32, #tpu.memory_space<vmem_shared>> -> memref<16xf32, #tpu.memory_space<vmem_shared>>
      %dma_start3A_503 = tpu.memref_slice %arg15[%mul3A_498] : memref<256xf32, #tpu.memory_space<vmem_shared>> -> memref<16xf32, #tpu.memory_space<vmem_shared>>
      tpu.enqueue_dma source(%arg13 : memref<16xf32, #tpu.memory_space<vmem>>) target(%dma_start3A_503 : memref<16xf32, #tpu.memory_space<vmem_shared>>) target_semaphore(%run_scoped3A : memref<!tpu.dma_semaphore, #tpu.memory_space<semaphore_mem>>)
      %dma_wait3A_504 = tpu.memref_slice %arg15[%mul3A_498] : memref<256xf32, #tpu.memory_space<vmem_shared>> -> memref<16xf32, #tpu.memory_space<vmem_shared>>
      %dma_wait3A_505 = tpu.memref_slice %arg15[%mul3A_498] : memref<256xf32, #tpu.memory_space<vmem_shared>> -> memref<16xf32, #tpu.memory_space<vmem_shared>>
      tpu.wait_dma2 semaphore(%run_scoped3A : memref<!tpu.dma_semaphore, #tpu.memory_space<semaphore_mem>>) src(%arg13 : memref<16xf32, #tpu.memory_space<vmem>>) dst(%dma_wait3A_505 : memref<16xf32, #tpu.memory_space<vmem_shared>>)
      tpu.yield
    }) : () -> ()
    %barrier3A = arith.constant 0 : index
    tpu.barrier barrier_id(%barrier3A)
    %eq3A_499 = arith.constant 0 : i32
    %eq3A_500 = arith.cmpi eq, %arg1, %eq3A_499 : i32
    %convert_element_type3A = arith.extui %eq3A_500 : i1 to i32
    %cond3A = arith.constant 0 : i32
    %cond3A_501 = arith.cmpi ne, %convert_element_type3A, %cond3A : i32
    scf.if %cond3A_501 {
      "tpu.region"() ({
        %run_scoped3A = tpu.sem_alloc : memref<!tpu.dma_semaphore, #tpu.memory_space<semaphore_mem>>
        tpu.enqueue_dma source(%arg15 : memref<256xf32, #tpu.memory_space<vmem_shared>>) target(%arg14 : memref<256xf32, #tpu.memory_space<vmem>>) target_semaphore(%run_scoped3A : memref<!tpu.dma_semaphore, #tpu.memory_space<semaphore_mem>>)
        tpu.wait_dma2 semaphore(%run_scoped3A : memref<!tpu.dma_semaphore, #tpu.memory_space<semaphore_mem>>) src(%arg15 : memref<256xf32, #tpu.memory_space<vmem_shared>>) dst(%arg14 : memref<256xf32, #tpu.memory_space<vmem>>)
        tpu.yield
      }) : () -> ()
      %get3A_502 = arith.constant 0 : index
      %get3A_503 = tpu.vector_load %arg14[%get3A_502] {strides = array<i32>} : memref<256xf32, #tpu.memory_space<vmem>>, vector<16xf32>,
      %add3A_504 = arith.addf %broadcast_in_dim3A_229, %get3A_503 : vector<16xf32>
      %get3A_505 = arith.constant 16 : index
      %get3A_506 = tpu.vector_load %arg14[%get3A_505] {strides = array<i32>} : memref<256xf32, #tpu.memory_space<vmem>>, vector<16xf32>,
      %add3A_507 = arith.addf %add3A_504, %get3A_506 : vector<16xf32>
      %get3A_508 = arith.constant 32 : index
      %get3A_509 = tpu.vector_load %arg14[%get3A_508] {strides = array<i32>} : memref<256xf32, #tpu.memory_space<vmem>>, vector<16xf32>,
      %add3A_510 = arith.addf %add3A_507, %get3A_509 : vector<16xf32>
      %get3A_511 = arith.constant 48 : index
      %get3A_512 = tpu.vector_load %arg14[%get3A_511] {strides = array<i32>} : memref<256xf32, #tpu.memory_space<vmem>>, vector<16xf32>,
      %add3A_513 = arith.addf %add3A_510, %get3A_512 : vector<16xf32>
      %get3A_514 = arith.constant 64 : index
      %get3A_515 = tpu.vector_load %arg14[%get3A_514] {strides = array<i32>} : memref<256xf32, #tpu.memory_space<vmem>>, vector<16xf32>,
      %add3A_516 = arith.addf %add3A_513, %get3A_515 : vector<16xf32>
      %get3A_517 = arith.constant 80 : index
      %get3A_518 = tpu.vector_load %arg14[%get3A_517] {strides = array<i32>} : memref<256xf32, #tpu.memory_space<vmem>>, vector<16xf32>,
      %add3A_519 = arith.addf %add3A_516, %get3A_518 : vector<16xf32>
      %get3A_520 = arith.constant 96 : index
      %get3A_521 = tpu.vector_load %arg14[%get3A_520] {strides = array<i32>} : memref<256xf32, #tpu.memory_space<vmem>>, vector<16xf32>,
      %add3A_522 = arith.addf %add3A_519, %get3A_521 : vector<16xf32>
      %get3A_523 = arith.constant 112 : index
      %get3A_524 = tpu.vector_load %arg14[%get3A_523] {strides = array<i32>} : memref<256xf32, #tpu.memory_space<vmem>>, vector<16xf32>,
      %add3A_525 = arith.addf %add3A_522, %get3A_524 : vector<16xf32>
      %get3A_526 = arith.constant 128 : index
      %get3A_527 = tpu.vector_load %arg14[%get3A_526] {strides = array<i32>} : memref<256xf32, #tpu.memory_space<vmem>>, vector<16xf32>,
      %add3A_528 = arith.addf %add3A_525, %get3A_527 : vector<16xf32>
      %get3A_529 = arith.constant 144 : index
      %get3A_530 = tpu.vector_load %arg14[%get3A_529] {strides = array<i32>} : memref<256xf32, #tpu.memory_space<vmem>>, vector<16xf32>,
      %add3A_531 = arith.addf %add3A_528, %get3A_530 : vector<16xf32>
      %get3A_532 = arith.constant 160 : index
      %get3A_533 = tpu.vector_load %arg14[%get3A_532] {strides = array<i32>} : memref<256xf32, #tpu.memory_space<vmem>>, vector<16xf32>,
      %add3A_534 = arith.addf %add3A_531, %get3A_533 : vector<16xf32>
      %get3A_535 = arith.constant 176 : index
      %get3A_536 = tpu.vector_load %arg14[%get3A_535] {strides = array<i32>} : memref<256xf32, #tpu.memory_space<vmem>>, vector<16xf32>,
      %add3A_537 = arith.addf %add3A_534, %get3A_536 : vector<16xf32>
      %get3A_538 = arith.constant 192 : index
      %get3A_539 = tpu.vector_load %arg14[%get3A_538] {strides = array<i32>} : memref<256xf32, #tpu.memory_space<vmem>>, vector<16xf32>,
      %add3A_540 = arith.addf %add3A_537, %get3A_539 : vector<16xf32>
      %get3A_541 = arith.constant 208 : index
      %get3A_542 = tpu.vector_load %arg14[%get3A_541] {strides = array<i32>} : memref<256xf32, #tpu.memory_space<vmem>>, vector<16xf32>,
      %add3A_543 = arith.addf %add3A_540, %get3A_542 : vector<16xf32>
      %get3A_544 = arith.constant 224 : index
      %get3A_545 = tpu.vector_load %arg14[%get3A_544] {strides = array<i32>} : memref<256xf32, #tpu.memory_space<vmem>>, vector<16xf32>,
      %add3A_546 = arith.addf %add3A_543, %get3A_545 : vector<16xf32>
      %get3A_547 = arith.constant 240 : index
      %get3A_548 = tpu.vector_load %arg14[%get3A_547] {strides = array<i32>} : memref<256xf32, #tpu.memory_space<vmem>>, vector<16xf32>,
      %add3A_549 = arith.addf %add3A_546, %get3A_548 : vector<16xf32>
      %add3A_550 = arith.constant 1.000000e-07 : f32
      %add3A_551 = vector.broadcast %add3A_550 : f32 to vector<16xf32>
      %add3A_552 = arith.addf %add3A_549, %add3A_551 : vector<16xf32>
      %bitcast_convert_type3A = tpu.bitcast %add3A_552 : vector<16xf32> -> vector<16xi32>
      %shift_right_arithmetic3A = arith.constant 1 : i32
      %shift_right_arithmetic3A_553 = vector.broadcast %shift_right_arithmetic3A : i32 to vector<16xi32>
      %shift_right_arithmetic3A_554 = arith.shrsi %bitcast_convert_type3A, %shift_right_arithmetic3A_553 : vector<16xi32>
      %sub3A_555 = arith.constant 1597463007 : i32
      %sub3A_556 = vector.broadcast %sub3A_555 : i32 to vector<16xi32>
      %sub3A_557 = arith.subi %sub3A_556, %shift_right_arithmetic3A_554 : vector<16xi32>
      %bitcast_convert_type3A_558 = tpu.bitcast %sub3A_557 : vector<16xi32> -> vector<16xf32>
      %mul3A_559 = arith.constant 5.000000e-01 : f32
      %mul3A_560 = vector.broadcast %mul3A_559 : f32 to vector<16xf32>
      %mul3A_561 = arith.mulf %mul3A_560, %add3A_552 : vector<16xf32>
      %mul3A_562 = arith.mulf %mul3A_561, %bitcast_convert_type3A_558 : vector<16xf32>
      %mul3A_563 = arith.mulf %mul3A_562, %bitcast_convert_type3A_558 : vector<16xf32>
      %sub3A_564 = arith.constant 1.500000e+00 : f32
      %sub3A_565 = vector.broadcast %sub3A_564 : f32 to vector<16xf32>
      %sub3A_566 = arith.subf %sub3A_565, %mul3A_563 : vector<16xf32>
      %mul3A_567 = arith.mulf %bitcast_convert_type3A_558, %sub3A_566 : vector<16xf32>
      %mul3A_568 = arith.constant 5.000000e-01 : f32
      %mul3A_569 = vector.broadcast %mul3A_568 : f32 to vector<16xf32>
      %mul3A_570 = arith.mulf %mul3A_569, %add3A_552 : vector<16xf32>
      %mul3A_571 = arith.mulf %mul3A_570, %mul3A_567 : vector<16xf32>
      %mul3A_572 = arith.mulf %mul3A_571, %mul3A_567 : vector<16xf32>
      %sub3A_573 = arith.constant 1.500000e+00 : f32
      %sub3A_574 = vector.broadcast %sub3A_573 : f32 to vector<16xf32>
      %sub3A_575 = arith.subf %sub3A_574, %mul3A_572 : vector<16xf32>
      %mul3A_576 = arith.mulf %mul3A_567, %sub3A_575 : vector<16xf32>
      %mul3A_577 = arith.constant 5.000000e-01 : f32
      %mul3A_578 = vector.broadcast %mul3A_577 : f32 to vector<16xf32>
      %mul3A_579 = arith.mulf %mul3A_578, %add3A_552 : vector<16xf32>
      %mul3A_580 = arith.mulf %mul3A_579, %mul3A_576 : vector<16xf32>
      %mul3A_581 = arith.mulf %mul3A_580, %mul3A_576 : vector<16xf32>
      %sub3A_582 = arith.constant 1.500000e+00 : f32
      %sub3A_583 = vector.broadcast %sub3A_582 : f32 to vector<16xf32>
      %sub3A_584 = arith.subf %sub3A_583, %mul3A_581 : vector<16xf32>
      %mul3A_585 = arith.mulf %mul3A_576, %sub3A_584 : vector<16xf32>
      %mul3A_586 = arith.mulf %add3A_552, %mul3A_585 : vector<16xf32>
      %lt3A_587 = arith.constant 3 : i32
      %lt3A_588 = vector.broadcast %lt3A_587 : i32 to vector<16xi32>
      %lt3A_589 = arith.cmpi slt, %iota3A, %lt3A_588 : vector<16xi32>
      %jit3A_590 = arith.constant 0.000000e+00 : f32
      %broadcast_in_dim3A_591 = vector.broadcast %jit3A_590 : f32 to vector<16xf32>
      %select_n3A_592 = arith.select %lt3A_589, %mul3A_586, %broadcast_in_dim3A_591 : vector<16xi1>, vector<16xf32>
      %reduce_sum3A_593 = arith.constant true
      %reduce_sum3A_594 = vector.broadcast %reduce_sum3A_593 : i1 to vector<16xi1>
      %reduce_sum3A_595 = tpu.scan <sum>, %select_n3A_592 masked %reduce_sum3A_594 : vector<16xf32>, vector<16xi1> -> vector<16xf32>
      %reduce_sum3A_596 = vector.extract %reduce_sum3A_595[15] : f32 from vector<16xf32>
      %mul3A_597 = arith.constant 0.333333343 : f32
      %mul3A_598 = arith.mulf %reduce_sum3A_596, %mul3A_597 : f32
      %add3A_599 = arith.constant 5.000000e+00 : f32
      %add3A_600 = arith.addf %add3A_599, %mul3A_598 : f32
      %sub3A_601 = vector.broadcast %add3A_600 : f32 to vector<16xf32>
      %sub3A_602 = arith.subf %sub3A_601, %mul3A_586 : vector<16xf32>
      %max3A = arith.constant 0.000000e+00 : f32
      %max3A_603 = vector.broadcast %max3A : f32 to vector<16xf32>
      %max3A_604 = arith.maximumf %sub3A_602, %max3A_603 : vector<16xf32>
      %ge3A = arith.constant 3 : i32
      %ge3A_605 = vector.broadcast %ge3A : i32 to vector<16xi32>
      %ge3A_606 = arith.cmpi sge, %iota3A, %ge3A_605 : vector<16xi32>
      %lt3A_607 = arith.constant 12 : i32
      %lt3A_608 = vector.broadcast %lt3A_607 : i32 to vector<16xi32>
      %lt3A_609 = arith.cmpi slt, %iota3A, %lt3A_608 : vector<16xi32>
      %and3A = arith.andi %ge3A_606, %lt3A_609 : vector<16xi1>
      %jit3A_610 = arith.constant 0.000000e+00 : f32
      %broadcast_in_dim3A_611 = vector.broadcast %jit3A_610 : f32 to vector<16xf32>
      %select_n3A_612 = arith.select %and3A, %max3A_604, %broadcast_in_dim3A_611 : vector<16xi1>, vector<16xf32>
      %reduce_sum3A_613 = arith.constant true
      %reduce_sum3A_614 = vector.broadcast %reduce_sum3A_613 : i1 to vector<16xi1>
      %reduce_sum3A_615 = tpu.scan <sum>, %select_n3A_612 masked %reduce_sum3A_614 : vector<16xf32>, vector<16xi1> -> vector<16xf32>
      %reduce_sum3A_616 = vector.extract %reduce_sum3A_615[15] : f32 from vector<16xf32>
      %mul3A_617 = arith.constant 0.111111112 : f32
      %mul3A_618 = arith.mulf %reduce_sum3A_616, %mul3A_617 : f32
      %eq3A_619 = arith.constant 0 : i32
      %eq3A_620 = vector.broadcast %eq3A_619 : i32 to vector<16xi32>
      %eq3A_621 = arith.cmpi eq, %iota3A, %eq3A_620 : vector<16xi32>
      %jit3A_622 = arith.constant 0.000000e+00 : f32
      %broadcast_in_dim3A_623 = vector.broadcast %mul3A_618 : f32 to vector<16xf32>
      %broadcast_in_dim3A_624 = vector.broadcast %jit3A_622 : f32 to vector<16xf32>
      %select_n3A_625 = arith.select %eq3A_621, %broadcast_in_dim3A_623, %broadcast_in_dim3A_624 : vector<16xi1>, vector<16xf32>
      %swap3A_626 = arith.constant 0 : index
      %swap3A_627 = tpu.vector_load %arg16[%swap3A_626] {strides = array<i32>} : memref<16xf32, #tpu.memory_space<vmem>>, vector<16xf32>,
      tpu.vector_store %arg16[%swap3A_626], %select_n3A_625 {strides = array<i32>} : memref<16xf32, #tpu.memory_space<vmem>>, vector<16xf32>,
      "tpu.region"() ({
        %run_scoped3A = tpu.sem_alloc : memref<!tpu.dma_semaphore, #tpu.memory_space<semaphore_mem>>
        %dma_start3A_628 = arith.constant 0 : i32
        %dma_start3A_629 = tpu.memref_slice %arg16[%dma_start3A_628] : memref<16xf32, #tpu.memory_space<vmem>> -> memref<1xf32, #tpu.memory_space<vmem>>
        %dma_start3A_630 = arith.constant 0 : i32
        %dma_start3A_631 = tpu.memref_slice %arg16[%dma_start3A_630] : memref<16xf32, #tpu.memory_space<vmem>> -> memref<1xf32, #tpu.memory_space<vmem>>
        tpu.enqueue_dma source(%dma_start3A_631 : memref<1xf32, #tpu.memory_space<vmem>>) target(%arg5 : memref<1xf32, #tpu.memory_space<hbm>>) target_semaphore(%run_scoped3A : memref<!tpu.dma_semaphore, #tpu.memory_space<semaphore_mem>>)
        %dma_wait3A_632 = arith.constant 0 : i32
        %dma_wait3A_633 = tpu.memref_slice %arg16[%dma_wait3A_632] : memref<16xf32, #tpu.memory_space<vmem>> -> memref<1xf32, #tpu.memory_space<vmem>>
        %dma_wait3A_634 = arith.constant 0 : i32
        %dma_wait3A_635 = tpu.memref_slice %arg16[%dma_wait3A_634] : memref<16xf32, #tpu.memory_space<vmem>> -> memref<1xf32, #tpu.memory_space<vmem>>
        tpu.wait_dma2 semaphore(%run_scoped3A : memref<!tpu.dma_semaphore, #tpu.memory_space<semaphore_mem>>) src(%dma_wait3A_635 : memref<1xf32, #tpu.memory_space<vmem>>) dst(%arg5 : memref<1xf32, #tpu.memory_space<hbm>>)
        tpu.yield
      }) : () -> ()
    } else {
    }
    return
  }
}

</mosaic_0001>

<sc_bundles>
// kernel: kernel.3.cloned.1.call-start
scs
__scs_entry_jumppad:
0x0: {  	(pc) =	sbr.rel $0x88, $3  }
0x1: {  	(tag) =	ssettag $0x0;
	lr =	simm.s32 $0x1  }
0x2: {  	[smem:$0x3F9C] =	sst lr;
	_ =	strace $0xD0000000  }
0x3: {  	_ = 	snop  }
0x4: {  	_ = 	snop  }
0x5: {  	_ = 	snop  }
0x6: {  	_ = 	snop  }
0x7: {  	_ = 	snop  }
__scs_overlays_trampoline_lowered:
0x8: {  	[smem:$0x3FAB] =	sst s0  }
0x9: {  	[smem:$0x3FAC] =	sst s1  }
0xa: {  	[smem:$0x3FAD] =	sst s2  }
0xb: {  	[smem:$0x3FAE] =	sst s3  }
0xc: {  	[smem:$0x3FAF] =	sst s4  }
0xd: {  	[smem:$0x3FB0] =	sst s5  }
0xe: {  	[smem:$0x3FB1] =	sst s6  }
0xf: {  	[smem:$0x3FB2] =	sst s7  }
0x10: {  	[smem:$0x3FB3] =	sst s8  }
0x11: {  	[smem:$0x3FB4] =	sst s9;
	s0 =	simm.s32 @!p0 $0x0  }
0x12: {  	s1 =	sld [smem:$0x3F9A];
	s0 =	simm.s32 @p0 $0x1  }
0x13: {  	[smem:$0x3FB5] =	sst s0;
	s0 =	simm.s32 @!p1 $0x0  }
0x14: {  	s2 =	sld [smem:$0x3F99];
	s0 =	simm.s32 @p1 $0x1  }
0x15: {  	[smem:$0x3FB6] =	sst s0;
	s0 =	simm.s32 @!p2 $0x0  }
0x16: {  	s3 =	sld [smem:$0x3FDB];
	s0 =	simm.s32 @p2 $0x1  }
0x17: {  	s4 =	simm.s32 $0x1BF5;
	[smem:$0x3FB8] =	sst s0  }
0x18: {  	s0 =	sld [smem:$0x3F9B];
	_ =	swait.ge [sflag:s4], $0x0  }
0x19: {  	s7 =	sld [smem:$0x3F9C]  }
0x1a: {  	s8 =	sadd.s32 $0xFFFFE003, lr  }
0x1b: {  	s9 =	sadd.s32 $0xFFFFFEF7, lr;
	s5 =	simm.s32 $0xFFFFFFFF;
	p2 =	slt.u32 s8, $0xFFFFF086  }
0x1c: {  	p1 =	slt.u32 s9, $0xF7A;
	s5 =	simm.s32 @!p2 $0x0  }
0x1d: {  	s5 =	simm.s32 @p1 $0x1;
	p0 =	seq.s32 s7, s2  }
0x1e: {  	s7 =	smul.u32 @!p0 $0xF7A, s2;
	p2 =	seq.s32 @!p0 s5, $0x0  }
0x1f: {  	s9 =	smul.u32 $0xF7A, s1;
	s8 =	simm.s32 @!p0 $0x1BF5;
	p2 =	por !p2, p0  }
0x20: {  	[sflag:s8] =	ssyncset.s32 @!p0 $0xFFFFF086;
	s6 =	sadd.s32 @!p0 s3, s7;
	s7 =	simm.s32 @!p0 $0x108  }
0x21: {  	s3 =	sadd.s32 s3, s9;
	s6 =	sadd.s32 @!p0 $0x88, s6;
	s7 =	simm.s32 @p2 $0x1082  }
0x22: {  	[simem:s7], [sflag:s8] =	dma.local @!p0 [hbm:s6], $0xF7A  }
0x23: {  	s9 =	sor.u32 $0xD0000000, s2;
	s6 =	simm.s32 $0x108;
	_ =	swait.ge @!p0 [sflag:s8], $0x0  }
0x24: {  	s3 =	sadd.s32 $0x88, s3;
	s6 =	simm.s32 @!p1 $0x1082;
	[sflag:s4] =	ssyncset.s32 $0xFFFFF086  }
0x25: {  	[simem:s6], [sflag:s4] =	dma.local [hbm:s3], $0xF7A  }
0x26: {  	[smem:$0x3F9C] =	sst s1;
	(tag) =	ssettag s2;
	_ =	strace s9  }
0x27: {  	s1 =	sld [smem:$0x3FAC]  }
0x28: {  	s2 =	sld [smem:$0x3FAD]  }
0x29: {  	s4 =	sld [smem:$0x3FAF]  }
0x2a: {  	p0 =	seq.s32 s5, $0x0;
	s5 =	sld [smem:$0x3FB0]  }
0x2b: {  	s6 =	sld [smem:$0x3FB1]  }
0x2c: {  	s7 =	sld [smem:$0x3FB2]  }
0x2d: {  	s3 =	simm.s32 $0x108;
	s8 =	sld [smem:$0x3FB3]  }
0x2e: {  	s3 =	simm.s32 @!p0 $0x1082;
	s9 =	sld [smem:$0x3FB4]  }
0x2f: {  	lr =	sadd.s32 s0, s3;
	s0 =	sld [smem:$0x3FAB]  }
0x30: {  	s3 =	sld [smem:$0x3FAE]  }
0x31: {  	[smem:$0x3FB7] =	sst s10  }
0x32: {  	s10 =	sld [smem:$0x3FB5];
	_ =	sdelay $0x3  }
0x33: {  	p0 =	seq.s32 s10, $0x1;
	s10 =	sld [smem:$0x3FB7];
	_ =	sdelay $0x3  }
0x34: {  	[smem:$0x3FB7] =	sst s10  }
0x35: {  	s10 =	sld [smem:$0x3FB6];
	_ =	sdelay $0x3  }
0x36: {  	p1 =	seq.s32 s10, $0x1;
	s10 =	sld [smem:$0x3FB7];
	_ =	sdelay $0x3  }
0x37: {  	[smem:$0x3FB7] =	sst s10  }
0x38: {  	s10 =	sld [smem:$0x3FB8]  }
0x39: {  	_ = 	snop;
	(pc) =	sbr.ind lr, $3  }
0x3a: {  	_ = 	snop  }
0x3b: {  	_ = 	snop  }
0x3c: {  	p2 =	seq.s32 s10, $0x1;
	s10 =	sld [smem:$0x3FB7]  }
0x3d: {  	_ =	shalt  }
0x3e: {  	_ =	shalt  }
0x3f: {  	_ =	shalt  }
0x40: {  	_ =	shalt  }
0x41: {  	_ =	shalt  }
0x42: {  	_ =	shalt  }
0x43: {  	_ =	shalt  }
0x44: {  	_ =	shalt  }
0x45: {  	_ =	shalt  }
0x46: {  	_ =	shalt  }
0x47: {  	_ =	shalt  }
0x48: {  	_ =	shalt  }
0x49: {  	_ =	shalt  }
0x4a: {  	_ =	shalt  }
0x4b: {  	_ =	shalt  }
0x4c: {  	_ =	shalt  }
0x4d: {  	_ =	shalt  }
0x4e: {  	_ =	shalt  }
0x4f: {  	_ =	shalt  }
0x50: {  	_ =	shalt  }
0x51: {  	_ =	shalt  }
0x52: {  	_ =	shalt  }
0x53: {  	_ =	shalt  }
0x54: {  	_ =	shalt  }
0x55: {  	_ =	shalt  }
0x56: {  	_ =	shalt  }
0x57: {  	_ =	shalt  }
0x58: {  	_ =	shalt  }
0x59: {  	_ =	shalt  }
0x5a: {  	_ =	shalt  }
0x5b: {  	_ =	shalt  }
0x5c: {  	_ =	shalt  }
0x5d: {  	_ =	shalt  }
0x5e: {  	_ =	shalt  }
0x5f: {  	_ =	shalt  }
0x60: {  	_ =	shalt  }
0x61: {  	_ =	shalt  }
0x62: {  	_ =	shalt  }
0x63: {  	_ =	shalt  }
0x64: {  	_ =	shalt  }
0x65: {  	_ =	shalt  }
0x66: {  	_ =	shalt  }
0x67: {  	_ =	shalt  }
0x68: {  	_ =	shalt  }
0x69: {  	_ =	shalt  }
0x6a: {  	_ =	shalt  }
0x6b: {  	_ =	shalt  }
0x6c: {  	_ =	shalt  }
0x6d: {  	_ =	shalt  }
0x6e: {  	_ =	shalt  }
0x6f: {  	_ =	shalt  }
0x70: {  	_ =	shalt  }
0x71: {  	_ =	shalt  }
0x72: {  	_ =	shalt  }
0x73: {  	_ =	shalt  }
0x74: {  	_ =	shalt  }
0x75: {  	_ =	shalt  }
0x76: {  	_ =	shalt  }
0x77: {  	_ =	shalt  }
0x78: {  	_ =	shalt  }
0x79: {  	_ =	shalt  }
0x7a: {  	_ =	shalt  }
0x7b: {  	_ =	shalt  }
0x7c: {  	_ =	shalt  }
0x7d: {  	_ =	shalt  }
0x7e: {  	_ =	shalt  }
0x7f: {  	_ =	shalt  }
0x80: {  	_ =	shalt  }
0x81: {  	_ =	shalt  }
0x82: {  	_ =	shalt  }
0x83: {  	_ =	shalt  }
0x84: {  	_ =	shalt  }
0x85: {  	_ =	shalt  }
0x86: {  	_ =	shalt  }
0x87: {  	_ =	shalt  }
.Lfunc_end0:
.L_simem_size_0:
called_computation_lowered:
.L_overlay_start_0:
0x88: {  	s0 =	sld [smem:$0x3FD9]  }
0x89: {  	s1 =	sld [smem:$0x3FFE];
	_ =	sdelay $0x3  }
0x8a: {  	s0 =	sadd.s32 s1, s0  }
0x8b: {  	[smem:$0x3FC3] =	sst s0  }
0x8c: {  	_ = 	snop  }
0x8d: {  	s0 =	sld [smem:$0x3FD0];
	(tm) =	ssettm $0x1  }
0x8e: {  	s16 =	sld [smem:$0x3FFB];
	_ =	sdelay $0x3  }
0x8f: {  	_ =	strace s16  }
0x90: {  	s1 =	sld [smem:$0x3FFC];
	_ =	sdelay $0x3  }
0x91: {  	_ =	strace s1  }
0x92: {  	s1 =	sld [smem:$0x3FFD];
	_ =	sdelay $0x3  }
0x93: {  	_ =	strace s1  }
0x94: {  	_ =	strace $0x8FFFFFFF  }
0x95: {  	s17 =	sld [smem:$0x3FDB];
	_ =	sdelay $0x1  }
0x96: {  	s2 =	simm.s32 $_scs_section_size  }
0x97: {  	s3 =	simm.s32 $_size__tile_overlayer_lowered;
	s4 =	simm.s32 $_tile_overlayer_lowered  }
0x98: {  	s20 =	simm.s32 $0x1BFF;
	s19 =	sshll.u32 s4, $0x1;
	s1 =	sadd.s32 s2, s17  }
0x99: {  	s5 =	simm.s32 $0x0;
	s18 =	sshll.u32 s3, $0x1;
	s3 =	sadd.s32 s19, s1  }
0x9a: {  	[timem:s5], [sflag:s20] =	dma.local [hbm:s3], s18  }
0x9b: {  	_ =	swait.ge [sflag:s20], s18  }
0x9c: {  	s2 =	ssub.s32 $0x0, s18;
	[sflag:s20] =	ssyncset.done $0x0  }
0x9d: {  	[sflag:s20] =	ssyncadd.s32 s2;
	_ =	sdelay $0x1  }
0x9e: {  	s21 =	simm.s32 $0x1B8B  }
0x9f: {  	_ =	swait.ge [sflag:s21], $0x1  }
0xa0: {  	[sflag:s21] =	ssyncset.done $0x0  }
0xa1: {  	s23 =	simm.s32 $0x1B8E;
	s22 =	sld [smem:$0x3FFE];
	[sflag:s21] =	ssyncadd.s32 $0xFFFFFFFF  }
0xa2: {  	s24 =	simm.s32 $execute0_lowered;
	[smem:$0x3FD2] =	sst s23  }
0xa3: {  	s3 =	sshll.u32 s24, $0x1;
	_ =	strace $0x80000046;
	[dreg:$0x1] =	wrdreg $0xFFFFFFFF  }
0xa4: {  	s25 =	simm.s32 $_size_execute0_lowered;
	s1 =	sadd.s32 s1, s3;
	[dreg:$0x0] =	wrdreg $0x0  }
0xa5: {  	s3 =	sshll.u32 s25, $0x1;
	[dreg:$0x2] =	wrdreg s1  }
0xa6: {  	[dreg:$0x3] =	wrdreg s3  }
0xa7: {  	[dreg:$0x4] =	wrdreg $0xC0  }
0xa8: {  	_ =	task [dreg:s5], $0x5FFFF  }
0xa9: {  	[dreg:$0x1] =	wrdreg $0xFFFFFFFF  }
0xaa: {  	[dreg:$0x0] =	wrdreg $0x60  }
0xab: {  	[dreg:$0x2] =	wrdreg s22  }
0xac: {  	[dreg:$0x3] =	wrdreg s0  }
0xad: {  	[dreg:$0x4] =	wrdreg $0x10800  }
0xae: {  	[dreg:$0x5] =	wrdreg $0x9  }
0xaf: {  	_ =	task.clear_ibuf [dreg:s5], $0x6FFFF;
	_ =	strace $0x90000046  }
0xb0: {  	s26 =	simm.s32 $0x9;
	_ =	strace $0x80000048  }
0xb1: {  	_ =	swait.ge [sflag:s26], $0x1  }
0xb2: {  	[sflag:s26] =	ssyncadd.s32 $0xFFFFFFFF  }
0xb3: {  	_ =	strace $0x90000048  }
0xb4: {  	_ =	sfence  }
0xb5: {  	s28 =	sld [smem:$0x0];
	_ =	sdelay $0x1  }
0xb6: {  	s29 =	srdreg.scid  }
0xb7: {  	s30 =	sshll.u32 s29, $0xD;
	s31 =	sshrl.u32 s29, $0x2  }
0xb8: {  	s2 =	sand.u32 $0x4000, s30;
	s1 =	sand.u32 $0x1, s29;
	s0 =	sadd.s32 s31, s28  }
0xb9: {  	s1 =	sor.u32 s2, s1;
	s0 =	sshll.u32 s0, $0x11  }
0xba: {  	s0 =	sor.u32 s0, s1  }
0xbb: {  	s0 =	sadd.s32 $0x8F2B, s0  }
0xbc: {  	[sflag:s0] =	ssyncadd.remote.s32 $0x1  }
0xbd: {  	_ =	sfence.sel $0xFFFF  }
0xbe: {  	[dreg:$0x0] =	wrdreg $0xFFFFFFFF;
	(pc) =	sbr.abs _section_cstart, $3  }
0xbf: {  	[dreg:$0x1] =	wrdreg $0xFFFFFFFF  }
0xc0: {  	_ =	task.clear_ibuf [dreg:s5], $0x2FFFF;
	_ =	strace $0x9FFFFFFF  }
0xc1: {  	(tm) =	ssettm $0x7FFFFFFF  }
tec
execute0_lowered:
.L_overlay_start_1:
0x0: {  	(tag) =	ssettag $0x1  }
0x1: {  	s7 =	rddreg [dreg:$0x0]  }
0x2: {  	s1 =	rddreg [dreg:$0x1]  }
0x3: {  	s3 =	rddreg [dreg:$0x2];
	s2 =	simm.s32 $0x0  }
0x4: {  	[smem:$0x7FF] =	sst s2  }
0x5: {  	s0 =	rddreg [dreg:$0x3];
	s4 =	sadd.s32 $0x30E00, s7;
	_ =	strace $0x80000047  }
0x6: {  	[tilespmem:s2], [sflag:$0x1] =	stream.linear.gather [hbm4b:s4+s2], $0x400, $0x38;
	[tilespmem:$0x1110] =	vst v63  }
0x7: {  	s6 =	simm.s32 $0x400;
	s5 =	sadd.s32 $0x80, s4  }
0x8: {  	[tilespmem:s6], [sflag:$0x2] =	stream.linear.gather [hbm4b:s5+s2], $0x400, $0x38;
	[tilespmem:$0x1110] =	vst v63  }
0x9: {  	s20 =	simm.s32 $0x800;
	s21 =	simm.s32 $0x1;
	s4 =	sadd.s32 $0x100, s4  }
0xa: {  	[tilespmem:s20], [sflag:$0x3] =	stream.linear.gather [hbm4b:s4+s2], $0x400, $0x38;
	[tilespmem:$0x1110] =	vst v63  }
0xb: {  	_ =	swait.ge [sflag:s21], $0x400  }
0xc: {  	s22 =	stileid.u32;
	[sflag:s21] =	ssyncset.done $0x0  }
0xd: {  	s23 =	sshll.u32 s22, $0x5;
	[sflag:s21] =	ssyncadd.s32 $0xFFFFFC00  }
0xe: {  	v0 =	vld [tilespmem:s23+$0x0]  }
0xf: {  	v1 =	vld [tilespmem:s23+$0x200];
	_ =	sdelay $0x3  }
0x10: {  	v0 =	vshll.u32 v0, $0x9  }
0x11: {  	v0 =	vadd.s32 v1, v0  }
0x12: {  	[tilespmem:$0xC00] =	vst v0;
	v1 =	vadd.s32 $0x40000, v0  }
0x13: {  	v0 =	vadd.s32 $0x80000, v0;
	[tilespmem:$0xC20] =	vst v1  }
0x14: {  	[tilespmem:$0xC40] =	vst v0  }
0x15: {  	v0 =	vld [tilespmem:s23+$0x10]  }
0x16: {  	v1 =	vld [tilespmem:s23+$0x210];
	_ =	sdelay $0x3  }
0x17: {  	v0 =	vshll.u32 v0, $0x9  }
0x18: {  	v0 =	vadd.s32 v1, v0  }
0x19: {  	[tilespmem:$0xC10] =	vst v0;
	v1 =	vadd.s32 $0x40000, v0  }
0x1a: {  	s9 =	simm.s32 $0x60;
	s10 =	simm.s32 $0xC00;
	v0 =	vadd.s32 $0x80000, v0;
	[tilespmem:$0xC30] =	vst v1  }
0x1b: {  	s11 =	simm.s32 $0xD80;
	s24 =	simm.s32 $0x2;
	s8 =	sadd.s32 $0xE00, s7;
	[tilespmem:$0xC50] =	vst v0  }
0x1c: {  	[tilespmem:s11], [sflag:$0x1] =	stream.indirect.gather [hbm4b:s8+s9], $0x1, s10, s9, $0xb8;
	[tilespmem:$0x1110] =	vst v63  }
0x1d: {  	_ =	swait.ge [sflag:s24], $0x400  }
0x1e: {  	[sflag:s24] =	ssyncset.done $0x0  }
0x1f: {  	[sflag:s24] =	ssyncadd.s32 $0xFFFFFC00  }
0x20: {  	v53 =	vld [tilespmem:s23+$0x400]  }
0x21: {  	v54 =	vld [tilespmem:s23+$0x600];
	_ =	sdelay $0x3  }
0x22: {  	v0 =	vshll.u32 v53, $0x9  }
0x23: {  	v0 =	vadd.s32 v54, v0  }
0x24: {  	[tilespmem:$0xC80] =	vst v0;
	v1 =	vadd.s32 $0x40000, v0  }
0x25: {  	v0 =	vadd.s32 $0x80000, v0;
	[tilespmem:$0xCA0] =	vst v1  }
0x26: {  	[tilespmem:$0xCC0] =	vst v0  }
0x27: {  	v0 =	vld [tilespmem:s23+$0x410]  }
0x28: {  	v1 =	vld [tilespmem:s23+$0x610];
	_ =	sdelay $0x3  }
0x29: {  	v0 =	vshll.u32 v0, $0x9  }
0x2a: {  	v0 =	vadd.s32 v1, v0  }
0x2b: {  	[tilespmem:$0xC90] =	vst v0;
	v1 =	vadd.s32 $0x40000, v0  }
0x2c: {  	s25 =	simm.s32 $0xC80;
	v0 =	vadd.s32 $0x80000, v0;
	[tilespmem:$0xCB0] =	vst v1  }
0x2d: {  	s26 =	simm.s32 $0xE00;
	s28 =	simm.s32 $0x3;
	s7 =	sadd.s32 $0x18E00, s7;
	[tilespmem:$0xCD0] =	vst v0  }
0x2e: {  	[tilespmem:s26], [sflag:$0x2] =	stream.indirect.gather [hbm4b:s7+s9], $0x1, s25, s9, $0xb8;
	[tilespmem:$0x1110] =	vst v63  }
0x2f: {  	_ =	swait.ge [sflag:s28], $0x400  }
0x30: {  	[sflag:s28] =	ssyncset.done $0x0  }
0x31: {  	[sflag:s28] =	ssyncadd.s32 $0xFFFFFC00  }
0x32: {  	v55 =	vld [tilespmem:s23+$0x800]  }
0x33: {  	v56 =	vld [tilespmem:s23+$0xA00];
	_ =	sdelay $0x3  }
0x34: {  	v0 =	vshll.u32 v55, $0x9  }
0x35: {  	v0 =	vadd.s32 v56, v0  }
0x36: {  	[tilespmem:$0xD00] =	vst v0;
	v1 =	vadd.s32 $0x40000, v0  }
0x37: {  	v0 =	vadd.s32 $0x80000, v0;
	[tilespmem:$0xD20] =	vst v1  }
0x38: {  	[tilespmem:$0xD40] =	vst v0  }
0x39: {  	v0 =	vld [tilespmem:s23+$0x810]  }
0x3a: {  	v1 =	vld [tilespmem:s23+$0xA10];
	_ =	sdelay $0x3  }
0x3b: {  	v0 =	vshll.u32 v0, $0x9  }
0x3c: {  	v0 =	vadd.s32 v1, v0  }
0x3d: {  	[tilespmem:$0xD10] =	vst v0;
	v1 =	vadd.s32 $0x40000, v0  }
0x3e: {  	v0 =	vadd.s32 $0x80000, v0;
	[tilespmem:$0xD30] =	vst v1  }
0x3f: {  	s29 =	simm.s32 $0xD00;
	s12 =	simm.s32 $0xE80;
	[tilespmem:$0xD50] =	vst v0  }
0x40: {  	[tilespmem:s12], [sflag:$0x3] =	stream.indirect.gather [hbm4b:s7+s9], $0x1, s29, s9, $0xb8;
	[tilespmem:$0x1110] =	vst v63  }
0x41: {  	_ =	swait.ge [sflag:s21], $0x60  }
0x42: {  	[sflag:s21] =	ssyncset.done $0x0  }
0x43: {  	[sflag:s21] =	ssyncadd.s32 $0xFFFFFFA0  }
0x44: {  	_ =	swait.ge [sflag:s24], $0x60  }
0x45: {  	[sflag:s24] =	ssyncset.done $0x0  }
0x46: {  	[sflag:s24] =	ssyncadd.s32 $0xFFFFFFA0  }
0x47: {  	_ =	swait.ge [sflag:s28], $0x60  }
0x48: {  	[sflag:s28] =	ssyncset.done $0x0  }
0x49: {  	[sflag:s28] =	ssyncadd.s32 $0xFFFFFFA0  }
0x4a: {  	v57 =	vld [tilespmem:$0xD80]  }
0x4b: {  	v58 =	vld [tilespmem:$0xDA0]  }
0x4c: {  	v2 =	vld [tilespmem:$0xDC0]  }
0x4d: {  	v3 =	vld [tilespmem:$0xE00]  }
0x4e: {  	v4 =	vld [tilespmem:$0xE20]  }
0x4f: {  	v5 =	vld [tilespmem:$0xE40]  }
0x50: {  	v6 =	vld [tilespmem:$0xE80]  }
0x51: {  	v8 =	vld [tilespmem:$0xEA0]  }
0x52: {  	v9 =	vld [tilespmem:$0xEC0]  }
0x53: {  	v11 =	vld [tilespmem:$0xD90]  }
0x54: {  	v13 =	vld [tilespmem:$0xDB0]  }
0x55: {  	v7 =	vlaneseq.u32;
	v15 =	vld [tilespmem:$0xE10]  }
0x56: {  	v7 =	vmul.u32 $0xFFFFFFFF, v7;
	v17 =	vld [tilespmem:$0xE30];
	v3 =	vsub.f32 v57, v3;
	v4 =	vsub.f32 v58, v4  }
0x57: {  	v19 =	vld [tilespmem:$0xDD0];
	v5 =	vsub.f32 v2, v5;
	v12 =	vsub.f32 v57, v6  }
0x58: {  	v7 =	vadd.s32 $0x1F4, v7;
	s5 =	sor.u32 $0x10, s23;
	v60 =	vld [tilespmem:$0xE50];
	v14 =	vsub.f32 v58, v6;
	v6 =	vsub.f32 v2, v6  }
0x59: {  	v10 =	vmov s5;
	v20 =	vld [tilespmem:$0xEB0];
	v16 =	vsub.f32 v57, v8;
	v18 =	vsub.f32 v58, v8  }
0x5a: {  	vm0 =	vlt.u32 v10, v7;
	v63 =	vld [tilespmem:$0xED0];
	v8 =	vsub.f32 v2, v8;
	v0 =	vsub.f32 v57, v9  }
0x5b: {  	v1 =	vsub.f32 v58, v9;
	v11 =	vnsel vm0, $0x0, v11;
	v15 =	vnsel vm0, $0x0, v15  }
0x5c: {  	v13 =	vnsel vm0, $0x0, v13;
	v17 =	vnsel vm0, $0x0, v17;
	v2 =	vsub.f32 v2, v9  }
0x5d: {  	v62 =	vld [tilespmem:$0xE90];
	v19 =	vnsel vm0, $0x0, v19;
	v10 =	vnsel vm0, $0x0, v60;
	v15 =	vsub.f32 v11, v15  }
0x5e: {  	v20 =	vnsel vm0, $0x0, v20;
	v17 =	vsub.f32 v13, v17;
	v10 =	vsub.f32 v19, v10  }
0x5f: {  	v9 =	vnsel vm0, $0x0, v63;
	v26 =	vsub.f32 v11, v20;
	v29 =	vsub.f32 v13, v20  }
0x60: {  	v32 =	vsub.f32 v19, v20;
	v3 =	vmul.f32 v3, v3;
	v4 =	vmul.f32 v4, v4  }
0x61: {  	v37 =	vsub.f32 v13, v9;
	v5 =	vmul.f32 v5, v5;
	v12 =	vmul.f32 v12, v12  }
0x62: {  	v61 =	vmul.f32 v18, v18;
	v18 =	vnsel vm0, $0x0, v62;
	v15 =	vmul.f32 v15, v15  }
0x63: {  	v14 =	vmul.f32 v14, v14;
	v17 =	vmul.f32 v17, v17;
	v23 =	vsub.f32 v11, v18  }
0x64: {  	v10 =	vmul.f32 v10, v10;
	v24 =	vsub.f32 v13, v18;
	v3 =	vadd.f32 v15, v3  }
0x65: {  	v18 =	vsub.f32 v19, v18;
	v4 =	vadd.f32 v17, v4;
	v15 =	vmul.f32 v23, v23  }
0x66: {  	v6 =	vmul.f32 v6, v6;
	v5 =	vadd.f32 v10, v5;
	v25 =	vmul.f32 v24, v24;
	(xrf2) =	vadd.scan.msk.f32 $0xffff, v3  }
0x67: {  	v59 =	vmul.f32 v16, v16;
	v28 =	vmul.f32 v18, v18;
	v27 =	vadd.f32 v15, v12;
	(xrf2) =	vadd.scan.msk.f32 $0xffff, v4  }
0x68: {  	v8 =	vmul.f32 v8, v8;
	v31 =	vmul.f32 v26, v26;
	v30 =	vadd.f32 v25, v14;
	(xrf2) =	vadd.scan.msk.f32 $0xffff, v5  }
0x69: {  	v34 =	vmul.f32 v29, v29;
	v11 =	vsub.f32 v11, v9;
	v33 =	vadd.f32 v28, v6;
	(xrf2) =	vadd.scan.msk.f32 $0xffff, v27  }
0x6a: {  	v0 =	vmul.f32 v0, v0;
	v36 =	vmul.f32 v32, v32;
	v35 =	vadd.f32 v31, v59;
	(xrf2) =	vadd.scan.msk.f32 $0xffff, v30  }
0x6b: {  	v9 =	vsub.f32 v19, v9;
	v38 =	vadd.f32 v34, v61;
	v39 =	vmul.f32 v11, v11;
	(xrf2) =	vadd.scan.msk.f32 $0xffff, v33  }
0x6c: {  	v1 =	vmul.f32 v1, v1;
	v41 =	vmul.f32 v37, v37;
	v40 =	vadd.f32 v36, v8;
	(xrf2) =	vadd.scan.msk.f32 $0xffff, v35  }
0x6d: {  	v2 =	vmul.f32 v2, v2;
	v42 =	vmul.f32 v9, v9;
	v0 =	vadd.f32 v39, v0;
	(xrf2) =	vadd.scan.msk.f32 $0xffff, v38  }
0x6e: {  	v1 =	vadd.f32 v41, v1;
	(xrf2) =	vadd.scan.msk.f32 $0xffff, v40  }
0x6f: {  	v2 =	vadd.f32 v42, v2;
	(xrf2) =	vadd.scan.msk.f32 $0xffff, v0  }
0x70: {  	v43, _, _ =	vpop (xrf2);
	(xrf2) =	vadd.scan.msk.f32 $0xffff, v1  }
0x71: {  	v0 =	vbroadcast v43, $0xF;
	v44, _, _ =	vpop (xrf2);
	(xrf2) =	vadd.scan.msk.f32 $0xffff, v2  }
0x72: {  	vm0 =	vmmov $0x1;
	v45, _, _ =	vpop (xrf2);
	v1 =	vbroadcast v44, $0xF  }
0x73: {  	v46, _, _ =	vpop (xrf2);
	v0 =	vnsel vm0, $0x0, v0;
	vm0 =	vcmask $0x330;
	v2 =	vbroadcast v45, $0xF  }
0x74: {  	v47, _, _ =	vpop (xrf2);
	v0 =	vsel vm0, v0, v1;
	vm0 =	vcmask $0x730;
	v48 =	vbroadcast v46, $0xF  }
0x75: {  	v49, _, _ =	vpop (xrf2);
	v0 =	vsel vm0, v0, v2;
	vm0 =	vcmask $0xB30;
	v50 =	vbroadcast v47, $0xF  }
0x76: {  	vm1 =	vcmask $0xF30;
	v51, _, _ =	vpop (xrf2);
	v0 =	vsel vm0, v0, v48;
	v52 =	vbroadcast v49, $0xF  }
0x77: {  	v53, _, _ =	vpop (xrf2);
	v0 =	vsel vm1, v0, v50;
	vm1 =	vcmask $0x1330;
	v54 =	vbroadcast v51, $0xF  }
0x78: {  	v55, _, _ =	vpop (xrf2);
	v0 =	vsel vm1, v0, v52;
	vm1 =	vcmask $0x1730;
	v56 =	vbroadcast v53, $0xF  }
0x79: {  	v57, _, _ =	vpop (xrf2);
	v0 =	vsel vm1, v0, v54;
	vm1 =	vcmask $0x1B30;
	v58 =	vbroadcast v55, $0xF  }
0x7a: {  	v59, _, _ =	vpop (xrf2);
	v0 =	vsel vm1, v0, v56;
	vm1 =	vcmask $0x1F30;
	v60 =	vbroadcast v57, $0xF  }
0x7b: {  	v0 =	vsel vm1, v0, v58;
	vm1 =	vcmask $0x2330;
	v61 =	vbroadcast v59, $0xF;
	v62, _, _ =	vpop (xrf2)  }
0x7c: {  	v0 =	vsel vm1, v0, v60;
	vm1 =	vcmask $0x2730;
	v63 =	vbroadcast v62, $0xF  }
0x7d: {  	v0 =	vsel vm1, v0, v61;
	vm1 =	vcmask $0x2B30  }
0x7e: {  	s30 =	sshll.u32 s22, $0x4;
	v0 =	vsel vm1, v0, v63  }
0x7f: {  	s31 =	simm.s32 $0xF00;
	s5 =	sadd.s32 s30, s3;
	[tilespmem:$0xF00] =	vst v0  }
0x80: {  	[spmem:s5] =	stream.linear.scatter [tilespmem:s31], [sflag:$0x4], $0x10, $0x38;
	[tilespmem:$0x1110] =	vst v63  }
0x81: {  	s5 =	simm.s32 $0x4  }
0x82: {  	_ =	swait.ge [sflag:s5], $0x10  }
0x83: {  	[sflag:s5] =	ssyncset.done $0x0  }
0x84: {  	[sflag:s5] =	ssyncadd.s32 $0xFFFFFFF0  }
0x85: {  	p0 =	sne.s32 s22, $0x0;
	[bflag:$0x0] =	sbarrier.arrive $0xFFFF  }
0x86: {  	_ =	sfence.sel @p0 $0x180000  }
0x87: {  	[bflag:$0x0] =	sbarrier.arrive @p0 $0xFFFF  }
0x88: {  	_ =	strace @p0 $0x90000047  }
0x89: {  	[bflag:$0x2] =	sbarrier.arrive @p0 $0xFFFF  }
0x8a: {  	_ =	shalt @p0  }
.LBB2_1:
0x8b: {  	s4 =	simm.s32 $0xF80  }
0x8c: {  	[tilespmem:s4], [sflag:$0x4] =	stream.linear.gather [spmem:s3], $0x100, $0x38;
	[tilespmem:$0x1110] =	vst v63  }
0x8d: {  	_ =	swait.ge [sflag:s5], $0x100  }
0x8e: {  	[sflag:s5] =	ssyncset.done $0x0  }
0x8f: {  	[sflag:s5] =	ssyncadd.s32 $0xFFFFFF00  }
0x90: {  	v0 =	vld [tilespmem:$0xF80];
	_ =	sdelay $0x1  }
0x91: {  	v1 =	vld [tilespmem:$0xF90];
	_ =	sdelay $0x1  }
0x92: {  	v2 =	vld [tilespmem:$0xFA0]  }
0x93: {  	v0 =	vadd.f32 $0.0e+00, v0  }
0x94: {  	v3 =	vld [tilespmem:$0xFB0]  }
0x95: {  	v0 =	vadd.f32 v1, v0  }
0x96: {  	v48 =	vld [tilespmem:$0xFC0]  }
0x97: {  	v0 =	vadd.f32 v2, v0  }
0x98: {  	v49 =	vld [tilespmem:$0xFD0]  }
0x99: {  	v0 =	vadd.f32 v3, v0  }
0x9a: {  	v50 =	vld [tilespmem:$0xFE0]  }
0x9b: {  	v0 =	vadd.f32 v48, v0  }
0x9c: {  	v51 =	vld [tilespmem:$0xFF0]  }
0x9d: {  	v0 =	vadd.f32 v49, v0  }
0x9e: {  	v52 =	vld [tilespmem:$0x1000]  }
0x9f: {  	v0 =	vadd.f32 v50, v0  }
0xa0: {  	v53 =	vld [tilespmem:$0x1010]  }
0xa1: {  	v0 =	vadd.f32 v51, v0  }
0xa2: {  	v54 =	vld [tilespmem:$0x1020]  }
0xa3: {  	v0 =	vadd.f32 v52, v0  }
0xa4: {  	v55 =	vld [tilespmem:$0x1030]  }
0xa5: {  	v0 =	vadd.f32 v53, v0  }
0xa6: {  	v56 =	vld [tilespmem:$0x1040]  }
0xa7: {  	v0 =	vadd.f32 v54, v0  }
0xa8: {  	v57 =	vld [tilespmem:$0x1050]  }
0xa9: {  	v0 =	vadd.f32 v55, v0  }
0xaa: {  	v58 =	vld [tilespmem:$0x1060]  }
0xab: {  	v0 =	vadd.f32 v56, v0  }
0xac: {  	v59 =	vld [tilespmem:$0x1070]  }
0xad: {  	v0 =	vadd.f32 v57, v0;
	_ =	sdelay $0x1  }
0xae: {  	v0 =	vadd.f32 v58, v0;
	_ =	sdelay $0x1  }
0xaf: {  	v0 =	vadd.f32 v59, v0;
	_ =	sdelay $0x1  }
0xb0: {  	v0 =	vadd.f32 $1.000000010e-07, v0;
	_ =	sdelay $0x1  }
0xb1: {  	v60 =	vshra.s32 v0, $0x1;
	v61 =	vmul.f32 $5.000000000e-01, v0  }
0xb2: {  	v1 =	vsub.s32 $0x5F3759DF, v60  }
0xb3: {  	v62 =	vmul.f32 v1, v61;
	_ =	sdelay $0x1  }
0xb4: {  	v3 =	vmul.f32 v1, v62;
	_ =	sdelay $0x1  }
0xb5: {  	v3 =	vsub.f32 $1.500000000e+00, v3;
	_ =	sdelay $0x1  }
0xb6: {  	v1 =	vmul.f32 v1, v3;
	_ =	sdelay $0x1  }
0xb7: {  	v3 =	vmul.f32 v1, v61;
	_ =	sdelay $0x1  }
0xb8: {  	v3 =	vmul.f32 v3, v1;
	_ =	sdelay $0x1  }
0xb9: {  	v3 =	vsub.f32 $1.500000000e+00, v3;
	_ =	sdelay $0x1  }
0xba: {  	v1 =	vmul.f32 v3, v1;
	_ =	sdelay $0x1  }
0xbb: {  	v2 =	vmul.f32 v1, v61;
	_ =	sdelay $0x1  }
0xbc: {  	v2 =	vmul.f32 v2, v1;
	_ =	sdelay $0x1  }
0xbd: {  	v2 =	vsub.f32 $1.500000000e+00, v2;
	_ =	sdelay $0x1  }
0xbe: {  	v1 =	vmul.f32 v2, v1;
	_ =	sdelay $0x1  }
0xbf: {  	v0 =	vmul.f32 v1, v0  }
0xc0: {  	vm1 =	vmmov $0x7  }
0xc1: {  	v1 =	vnsel vm1, $0x0, v0  }
0xc2: {  	(xrf2) =	vadd.scan.msk.f32 $0xffff, v1;
	_ =	sdelay $0x9  }
0xc3: {  	v1, _, _ =	vpop (xrf2)  }
0xc4: {  	(v2sf) =	vpush v1, $0xF;
	_ =	sdelay $0xe  }
0xc5: {  	s29 =	spop (v2sf)  }
0xc6: {  	s3 =	smul.f32 $3.333333430e-01, s29;
	_ =	sdelay $0x1  }
0xc7: {  	s3 =	sadd.f32 $5.000000000e+00, s3;
	_ =	sdelay $0x1  }
0xc8: {  	v0 =	vsub.f32 s3, v0;
	_ =	sdelay $0x1  }
0xc9: {  	v0 =	vmax.f32 v0, $0.0e+00  }
0xca: {  	v0 =	vsel vm0, $0x0, v0  }
0xcb: {  	(xrf2) =	vadd.scan.msk.f32 $0xffff, v0;
	_ =	sdelay $0x9  }
0xcc: {  	v0, _, _ =	vpop (xrf2)  }
0xcd: {  	(v2sf) =	vpush v0, $0xF;
	_ =	sdelay $0xe  }
0xce: {  	s30 =	spop (v2sf)  }
0xcf: {  	s3 =	smul.f32 $1.111111120e-01, s30;
	_ =	sdelay $0x1  }
0xd0: {  	vm15 =	vcmask $0x300;
	v63 =	vmov s3  }
0xd1: {  	v0 =	vnsel vm15, $0x0, v63  }
0xd2: {  	s31 =	simm.s32 $0x1090;
	[tilespmem:$0x1090] =	vst v0  }
0xd3: {  	[hbm4b:s1+s2] =	stream.linear.scatter [tilespmem:s31], [sflag:$0x4], $0x1, $0x38;
	[tilespmem:$0x1110] =	vst v63  }
0xd4: {  	_ =	swait.ge [sflag:s5], $0x1  }
0xd5: {  	[sflag:s5] =	ssyncset.done $0x0  }
0xd6: {  	[sflag:s5] =	ssyncadd.s32 $0xFFFFFFFF  }
0xd7: {  	_ =	sfence.sel $0x180000  }
0xd8: {  	[bflag:$0x0] =	sbarrier.arrive $0xFFFF  }
0xd9: {  	_ =	strace $0x90000047  }
0xda: {  	s0 =	sadd.s32 $0x100000, s0;
	[bflag:$0x2] =	sbarrier.arrive $0xFFFF  }
0xdb: {  	[sflag:s0] =	ssyncadd.tile.s32 $0x1;
	_ =	shalt  }
.Lfunc_end2:
_tile_overlayer_lowered:
.L_overlay_start_2:
0xdc: {  	(tag) =	ssettag $0x2  }
0xdd: {  	s0 =	rddreg [dreg:$0x0];
	s2 =	stileid.u32  }
0xde: {  	s1 =	rddreg [dreg:$0x1];
	p0 =	sne.s32 s2, $0x0  }
0xdf: {  	s3 =	rddreg [dreg:$0x2];
	[bflag:$0x3] =	sbarrier.arrive $0xFFFF;
	s2 =	simm.s32 @!p0 $0x1C04  }
0xe0: {  	[timem:s3], [sflag:s2] =	dma.local @!p0 [hbm:s0], s1  }
0xe1: {  	s0 =	simm.s32 @!p0 $0x4  }
0xe2: {  	_ =	swait.ge @!p0 [sflag:s0], s1  }
0xe3: {  	s1 =	ssub.s32 @!p0 $0x0, s1;
	[sflag:s0] =	ssyncset.done @!p0 $0x0  }
0xe4: {  	[sflag:s0] =	ssyncadd.s32 @!p0 s1  }
0xe5: {  	[bflag:$0x3] =	sbarrier.arrive $0xFFFF  }
0xe6: {  	_ =	shalt  }

</sc_bundles>
